<compile_context>
chip_gen: v7x
topology: tpu7x:2x2x1
jax: 0.10.2.dev20260603
libtpu: 0.0.44.dev20260713+nightly
codegen_flags: <defaults>
</compile_context>

<pallas_src>
import jax
import jax.numpy as jnp
from jax.experimental import pallas as pl
from jax.experimental.pallas import tpu as pltpu

_B, _C, _W = 16, 128, 4096
_N = _B * _W
_EPS = 1e-5
_DEF = jax.lax.Precision.DEFAULT
_HIGH = jax.lax.Precision.HIGHEST


def _dot(a, b, precision=_DEF):
    return jax.lax.dot_general(a, b, (((1,), (0,)), ((), ())),
                               preferred_element_type=jnp.float32,
                               precision=precision)


def _leaky(x):
    return jnp.where(x >= 0, x, 0.01 * x)


def _stats_body(x_ref, clW_ref, clb_ref, rW_ref, rb_ref,
                mc_ref, sc_ref, mr_ref, sr_ref,
                accc_ref, accr_ref, meanc_ref, meanr_ref):
    i = pl.program_id(0)
    X = x_ref[0]
    y_c = _dot(clW_ref[...], X) + clb_ref[...]
    y_r = _dot(rW_ref[...], X) + rb_ref[...]

    @pl.when(jnp.logical_or(i == 0, i == _B))
    def _zero():
        accc_ref[...] = jnp.zeros_like(accc_ref)
        accr_ref[...] = jnp.zeros_like(accr_ref)

    @pl.when(i < _B)
    def _mean_phase():
        accc_ref[...] += jnp.sum(y_c, axis=1, keepdims=True)
        accr_ref[...] += jnp.sum(y_r, axis=1, keepdims=True)

    @pl.when(i == _B - 1)
    def _mean_done():
        meanc_ref[...] = accc_ref[...] * jnp.float32(1.0 / _N)
        meanr_ref[...] = accr_ref[...] * jnp.float32(1.0 / _N)

    @pl.when(i >= _B)
    def _var_phase():
        d_c = y_c - meanc_ref[...]
        d_r = y_r - meanr_ref[...]
        accc_ref[...] += jnp.sum(d_c * d_c, axis=1, keepdims=True)
        accr_ref[...] += jnp.sum(d_r * d_r, axis=1, keepdims=True)

    @pl.when(i == 2 * _B - 1)
    def _var_done():
        mc_ref[...] = meanc_ref[...]
        mr_ref[...] = meanr_ref[...]
        sc_ref[...] = jnp.sqrt(accc_ref[...] * jnp.float32(1.0 / _N) + _EPS)
        sr_ref[...] = jnp.sqrt(accr_ref[...] * jnp.float32(1.0 / _N) + _EPS)


def _main_body(x_ref, cl1W_ref, cl1b_ref, mc_ref, sc_ref, gc_ref, bc_ref,
               cl2W_ref, cl2b_ref, cl3W_ref, cl3b_ref,
               r1W_ref, r1b_ref, mr_ref, sr_ref, gr_ref, br_ref,
               w2r_ref, w2c_ref, b2T_ref, r3_ref, xreal_ref, mask_ref):
    X = x_ref[0]
    y1 = _dot(cl1W_ref[...], X) + cl1b_ref[...]
    x1 = _leaky((y1 - mc_ref[...]) / sc_ref[...] * gc_ref[...] + bc_ref[...])
    xc = _leaky(_dot(cl2W_ref[...], x1) + cl2b_ref[...])
    logits = _dot(cl3W_ref[...], xc) + cl3b_ref[...]
    cls = logits[:_C]
    mask_row = _leaky(logits[_C:_C + 1])

    mx = jnp.max(cls, axis=0, keepdims=True)
    iot = jax.lax.broadcasted_iota(jnp.int32, (_C, _W), 0)
    inds = jnp.min(jnp.where(cls >= mx, iot, _C), axis=0, keepdims=True)
    onehot = (iot == inds).astype(jnp.float32)

    yr = _dot(r1W_ref[...], X) + r1b_ref[...]
    xr = _leaky((yr - mr_ref[...]) / sr_ref[...] * gr_ref[...] + br_ref[...])
    out_all = _dot(w2r_ref[...], xr) + _dot(w2c_ref[...], x1)
    esup = inds // (_C // 8)
    acc = jnp.zeros((32, _W), jnp.float32)
    for e in range(8):
        acc = acc + jnp.where(esup == e,
                              out_all[e * 32:(e + 1) * 32] + b2T_ref[:, e:e + 1],
                              0.0)
    h = _leaky(acc)
    wg = _dot(r3_ref[...], onehot, precision=_HIGH)
    regression = jnp.sum(h * wg[:32], axis=0, keepdims=True) + wg[32:33]
    xreal = (inds.astype(jnp.float32) + regression) * jnp.float32(1.0 / _C)

    xreal_ref[...] = xreal.reshape(1, 1, 1, _W)
    mask_ref[...] = mask_row.reshape(1, 1, 1, _W)


def kernel(x_in, cl1_W, cl1_b, bn_c_gamma, bn_c_beta, cl2_W, cl2_b, cl3_W,
           cl3_b, reg1_W, reg1_b, bn_r_gamma, bn_r_beta, reg2_W, reg2_b,
           reg3_W, reg3_b):
    f32 = jnp.float32
    x = x_in.reshape(_B, _C, _W)
    col = lambda v: v.reshape(-1, 1).astype(f32)

    rep = lambda shape: pl.BlockSpec(shape, lambda b: (0,) * len(shape))
    cvec = rep((_C, 1))
    mean_c, sqv_c, mean_r, sqv_r = pl.pallas_call(
        _stats_body,
        grid=(2 * _B,),
        in_specs=[
            pl.BlockSpec((1, _C, _W), lambda i: (i % _B, 0, 0)),
            rep((_C, _C)), cvec, rep((_C, _C)), cvec,
        ],
        out_specs=[cvec, cvec, cvec, cvec],
        out_shape=[jax.ShapeDtypeStruct((_C, 1), f32)] * 4,
        scratch_shapes=[pltpu.VMEM((_C, 1), f32)] * 4,
    )(x, cl1_W, col(cl1_b), reg1_W, col(reg1_b))

    w2 = jnp.transpose(reg2_W, (0, 2, 1)).reshape(8 * 32, 2 * _C)
    w2r, w2c = w2[:, :_C], w2[:, _C:]
    b2T = reg2_b.T
    r3 = jnp.concatenate([reg3_W[:, :, 0], reg3_b], axis=1).T

    x_real, mask = pl.pallas_call(
        _main_body,
        grid=(_B,),
        in_specs=[
            pl.BlockSpec((1, _C, _W), lambda b: (b, 0, 0)),
            rep((_C, _C)), cvec, cvec, cvec, cvec, cvec,
            rep((_C, _C)), cvec,
            rep((_C + 1, _C)), rep((_C + 1, 1)),
            rep((_C, _C)), cvec, cvec, cvec, cvec, cvec,
            rep((256, _C)), rep((256, _C)),
            rep((32, 8)), rep((33, _C)),
        ],
        out_specs=[
            pl.BlockSpec((1, 1, 1, _W), lambda b: (b, 0, 0, 0)),
            pl.BlockSpec((1, 1, 1, _W), lambda b: (b, 0, 0, 0)),
        ],
        out_shape=[
            jax.ShapeDtypeStruct((_B, 1, 1, _W), f32),
            jax.ShapeDtypeStruct((_B, 1, 1, _W), f32),
        ],
    )(x, cl1_W, col(cl1_b), mean_c, sqv_c, col(bn_c_gamma), col(bn_c_beta),
      cl2_W, col(cl2_b), cl3_W, col(cl3_b),
      reg1_W, col(reg1_b), mean_r, sqv_r, col(bn_r_gamma), col(bn_r_beta),
      w2r, w2c, b2T, r3)

    return (x_real, mask)

# --- scband reference (transcript-rebuilt; emitter-appended) ---
"""Pipeline reference for scband-cr8-reg-cond-mul-5-13975823582042 (READ-ONLY COPY).

The authoritative reference and input builder live on the scoring server;
editing this copy changes nothing except your own understanding.
"""

import jax, jax.numpy as jnp
import numpy as np

B, C_IN, H, W = 16, 128, 1, 4096
CLASSES, SUPER = 128, 8
CH_C = [128, 128]
CH_R = [128, 32]


def _conv1x1(x, Wt, b):
    # x: [B,C,H,W], Wt: [O,C], b: [O]  (nn.Conv2d with kernel 1)
    return jnp.einsum('bchw,oc->bohw', x, Wt) + b[None, :, None, None]


def _bn(x, gamma, beta, eps=1e-5):
    # BatchNorm2d in training mode: biased batch stats over (B,H,W)
    mean = jnp.mean(x, axis=(0, 2, 3), keepdims=True)
    var = jnp.var(x, axis=(0, 2, 3), keepdims=True)
    xn = (x - mean) / jnp.sqrt(var + eps)
    return xn * gamma[None, :, None, None] + beta[None, :, None, None]


def _leaky(x):
    return jnp.where(x >= 0, x, 0.01 * x)


def setup_inputs(seed: int = 0) -> dict:
    key = jax.random.key(seed)
    ks = jax.random.split(key, 16)
    f32 = jnp.float32
    inp = {
        'x_in': jax.random.normal(ks[0], (B, C_IN, H, W), dtype=f32),
        'cl1_W': 0.05 * jax.random.normal(ks[1], (CH_C[0], C_IN), dtype=f32),
        'cl1_b': jnp.zeros((CH_C[0],), f32),
        'bn_c_gamma': jnp.ones((CH_C[0],), f32),
        'bn_c_beta': jnp.zeros((CH_C[0],), f32),
        'cl2_W': 0.05 * jax.random.normal(ks[2], (CH_C[1], CH_C[0]), dtype=f32),
        'cl2_b': jnp.zeros((CH_C[1],), f32),
        'cl3_W': 0.05 * jax.random.normal(ks[3], (CLASSES + 1, CH_C[1]), dtype=f32),
        'cl3_b': jnp.zeros((CLASSES + 1,), f32),
        'reg1_W': 0.05 * jax.random.normal(ks[4], (CH_R[0], C_IN), dtype=f32),
        'reg1_b': jnp.zeros((CH_R[0],), f32),
        'bn_r_gamma': jnp.ones((CH_R[0],), f32),
        'bn_r_beta': jnp.zeros((CH_R[0],), f32),
        'reg2_W': 0.05 * jax.random.normal(ks[5], (SUPER, CH_R[0] + CH_C[0], CH_R[1]), dtype=f32),
        'reg2_b': 0.01 * jax.random.normal(ks[6], (SUPER, CH_R[1]), dtype=f32),
        'reg3_W': 0.05 * jax.random.normal(ks[7], (CLASSES, CH_R[1], 1), dtype=f32),
        'reg3_b': 0.01 * jax.random.normal(ks[8], (CLASSES, 1), dtype=f32),
    }
    return inp


def reference(x_in, cl1_W, cl1_b, bn_c_gamma, bn_c_beta, cl2_W, cl2_b, cl3_W, cl3_b,
              reg1_W, reg1_b, bn_r_gamma, bn_r_beta, reg2_W, reg2_b, reg3_W, reg3_b):
    batch = x_in.shape[0]
    class_factor = CLASSES // SUPER
    # classification branch
    x1 = _leaky(_bn(_conv1x1(x_in, cl1_W, cl1_b), bn_c_gamma, bn_c_beta))
    xc = _leaky(_conv1x1(x1, cl2_W, cl2_b))
    xc = _conv1x1(xc, cl3_W, cl3_b)
    cls = xc[:, 0:CLASSES, :, :]
    mask = _leaky(xc[:, CLASSES:CLASSES + 1, :, :])
    inds = jnp.argmax(cls, axis=1)[:, None, :, :]            # [B,1,H,W]
    inds_r = inds.reshape(-1).astype(jnp.int32)              # [N]
    inds_super = (inds_r // class_factor).astype(jnp.int32)  # [N]
    # regression branch (cl1/bn recomputation yields same value as x1)
    xr = _leaky(_bn(_conv1x1(x_in, reg1_W, reg1_b), bn_r_gamma, bn_r_beta))
    xcat = jnp.concatenate([xr, x1], axis=1)                 # [B,160,H,W]
    rows = jnp.transpose(xcat, (0, 3, 2, 1)).reshape(-1, xcat.shape[1])  # [N,160]
    n = rows.shape[0]
    # CondMul(superclasses): compute all experts densely, gather routed rows
    all_out = jnp.einsum('ni,eio->eno', rows, reg2_W) + reg2_b[:, None, :]  # [E,N,32]
    sel = all_out[inds_super, jnp.arange(n)]                 # [N,32]
    h = _leaky(sel)
    # CondMul(classes): gather per-row expert weights (128 tiny experts)
    Wg = jnp.take(reg3_W, inds_r, axis=0)                    # [N,32,1]
    bg = jnp.take(reg3_b, inds_r, axis=0)                    # [N,1]
    regression = jnp.einsum('ni,nio->no', h, Wg) + bg        # [N,1]
    regression = regression.reshape(batch, 1, 1, -1)         # [B,1,1,H*W]
    x_real = (inds.astype(jnp.float32) + regression) * (1.0 / float(CLASSES))
    return (x_real, mask)

if __name__ == "__main__":
    import jax
    _d = setup_inputs()
    print(jax.jit(kernel)(*tuple(_d.values())))

</pallas_src>

<mosaic_0001>
module attributes {stable_mosaic.version = 14 : i64} {
  func.func @_main_body(%arg0: i32, %arg1: memref<1x128x4096xf32, #tpu.memory_space<vmem>>, %arg2: memref<128x128xf32, #tpu.memory_space<vmem>>, %arg3: memref<128x1xf32, #tpu.memory_space<vmem>>, %arg4: memref<128x1xf32, #tpu.memory_space<vmem>>, %arg5: memref<128x1xf32, #tpu.memory_space<vmem>>, %arg6: memref<128x1xf32, #tpu.memory_space<vmem>>, %arg7: memref<128x1xf32, #tpu.memory_space<vmem>>, %arg8: memref<128x128xf32, #tpu.memory_space<vmem>>, %arg9: memref<128x1xf32, #tpu.memory_space<vmem>>, %arg10: memref<129x128xf32, #tpu.memory_space<vmem>>, %arg11: memref<129x1xf32, #tpu.memory_space<vmem>>, %arg12: memref<128x128xf32, #tpu.memory_space<vmem>>, %arg13: memref<128x1xf32, #tpu.memory_space<vmem>>, %arg14: memref<128x1xf32, #tpu.memory_space<vmem>>, %arg15: memref<128x1xf32, #tpu.memory_space<vmem>>, %arg16: memref<128x1xf32, #tpu.memory_space<vmem>>, %arg17: memref<128x1xf32, #tpu.memory_space<vmem>>, %arg18: memref<256x128xf32, #tpu.memory_space<vmem>>, %arg19: memref<256x128xf32, #tpu.memory_space<vmem>>, %arg20: memref<32x8xf32, #tpu.memory_space<vmem>>, %arg21: memref<33x128xf32, #tpu.memory_space<vmem>>, %arg22: memref<1x1x1x4096xf32, #tpu.memory_space<vmem>>, %arg23: memref<1x1x1x4096xf32, #tpu.memory_space<vmem>>) attributes {dimension_semantics = [#tpu.dimension_semantics<arbitrary>], iteration_bounds = array<i64: 16>, scalar_prefetch = 0 : i64, scratch_operands = 0 : i64, tpu.core_type = #tpu.core_type<tc>, window_params = [{transform_indices = @transform_0, window_bounds = array<i64: 1, 128, 4096>}, {pipeline_mode = #tpu.pipeline_mode<synchronous>, transform_indices = @transform_1, window_bounds = array<i64: 128, 128>}, {pipeline_mode = #tpu.pipeline_mode<synchronous>, transform_indices = @transform_2, window_bounds = array<i64: 128, 1>}, {pipeline_mode = #tpu.pipeline_mode<synchronous>, transform_indices = @transform_3, window_bounds = array<i64: 128, 1>}, {pipeline_mode = #tpu.pipeline_mode<synchronous>, transform_indices = @transform_4, window_bounds = array<i64: 128, 1>}, {pipeline_mode = #tpu.pipeline_mode<synchronous>, transform_indices = @transform_5, window_bounds = array<i64: 128, 1>}, {pipeline_mode = #tpu.pipeline_mode<synchronous>, transform_indices = @transform_6, window_bounds = array<i64: 128, 1>}, {pipeline_mode = #tpu.pipeline_mode<synchronous>, transform_indices = @transform_7, window_bounds = array<i64: 128, 128>}, {pipeline_mode = #tpu.pipeline_mode<synchronous>, transform_indices = @transform_8, window_bounds = array<i64: 128, 1>}, {pipeline_mode = #tpu.pipeline_mode<synchronous>, transform_indices = @transform_9, window_bounds = array<i64: 129, 128>}, {pipeline_mode = #tpu.pipeline_mode<synchronous>, transform_indices = @transform_10, window_bounds = array<i64: 129, 1>}, {pipeline_mode = #tpu.pipeline_mode<synchronous>, transform_indices = @transform_11, window_bounds = array<i64: 128, 128>}, {pipeline_mode = #tpu.pipeline_mode<synchronous>, transform_indices = @transform_12, window_bounds = array<i64: 128, 1>}, {pipeline_mode = #tpu.pipeline_mode<synchronous>, transform_indices = @transform_13, window_bounds = array<i64: 128, 1>}, {pipeline_mode = #tpu.pipeline_mode<synchronous>, transform_indices = @transform_14, window_bounds = array<i64: 128, 1>}, {pipeline_mode = #tpu.pipeline_mode<synchronous>, transform_indices = @transform_15, window_bounds = array<i64: 128, 1>}, {pipeline_mode = #tpu.pipeline_mode<synchronous>, transform_indices = @transform_16, window_bounds = array<i64: 128, 1>}, {pipeline_mode = #tpu.pipeline_mode<synchronous>, transform_indices = @transform_17, window_bounds = array<i64: 256, 128>}, {pipeline_mode = #tpu.pipeline_mode<synchronous>, transform_indices = @transform_18, window_bounds = array<i64: 256, 128>}, {pipeline_mode = #tpu.pipeline_mode<synchronous>, transform_indices = @transform_19, window_bounds = array<i64: 32, 8>}, {pipeline_mode = #tpu.pipeline_mode<synchronous>, transform_indices = @transform_20, window_bounds = array<i64: 33, 128>}, {transform_indices = @transform_21, window_bounds = array<i64: 1, 1, 1, 4096>}, {transform_indices = @transform_22, window_bounds = array<i64: 1, 1, 1, 4096>}]} {
    %get3A = arith.constant 0 : index
    %get3A_0 = arith.constant 0 : index
    %get3A_1 = arith.constant 0 : index
    %get3A_2 = vector.load %arg1[%get3A, %get3A_0, %get3A_1] : memref<1x128x4096xf32, #tpu.memory_space<vmem>>, vector<1x128x4096xf32>
    %get3A_3 = vector.shape_cast %get3A_2 : vector<1x128x4096xf32> to vector<128x4096xf32>
    %get3A_4 = arith.constant 0 : index
    %get3A_5 = arith.constant 0 : index
    %get3A_6 = vector.load %arg2[%get3A_4, %get3A_5] : memref<128x128xf32, #tpu.memory_space<vmem>>, vector<128x128xf32>
    %dot_general3A = arith.constant dense<0.000000e+00> : vector<128x4096xf32>
    %dot_general3A_7 = tpu.matmul %get3A_6, %get3A_3, %dot_general3A {dimension_numbers = #tpu.dot_dimension_numbers<[1], [0], [0], [1], [0, 0, 1, 1], [], []>, transpose_lhs_hint = false} : vector<128x128xf32>, vector<128x4096xf32>, vector<128x4096xf32> -> vector<128x4096xf32>
    %get3A_8 = arith.constant 0 : index
    %get3A_9 = arith.constant 0 : index
    %get3A_10 = vector.load %arg3[%get3A_8, %get3A_9] : memref<128x1xf32, #tpu.memory_space<vmem>>, vector<128x1xf32>
    %add3A = vector.broadcast %get3A_10 : vector<128x1xf32> to vector<128x4096xf32>
    %add3A_11 = arith.addf %dot_general3A_7, %add3A : vector<128x4096xf32>
    %get3A_12 = arith.constant 0 : index
    %get3A_13 = arith.constant 0 : index
    %get3A_14 = vector.load %arg4[%get3A_12, %get3A_13] : memref<128x1xf32, #tpu.memory_space<vmem>>, vector<128x1xf32>
    %sub3A = vector.broadcast %get3A_14 : vector<128x1xf32> to vector<128x4096xf32>
    %sub3A_15 = arith.subf %add3A_11, %sub3A : vector<128x4096xf32>
    %get3A_16 = arith.constant 0 : index
    %get3A_17 = arith.constant 0 : index
    %get3A_18 = vector.load %arg5[%get3A_16, %get3A_17] : memref<128x1xf32, #tpu.memory_space<vmem>>, vector<128x1xf32>
    %div3A = vector.broadcast %get3A_18 : vector<128x1xf32> to vector<128x4096xf32>
    %div3A_19 = arith.divf %sub3A_15, %div3A : vector<128x4096xf32>
    %get3A_20 = arith.constant 0 : index
    %get3A_21 = arith.constant 0 : index
    %get3A_22 = vector.load %arg6[%get3A_20, %get3A_21] : memref<128x1xf32, #tpu.memory_space<vmem>>, vector<128x1xf32>
    %mul3A = vector.broadcast %get3A_22 : vector<128x1xf32> to vector<128x4096xf32>
    %mul3A_23 = arith.mulf %div3A_19, %mul3A : vector<128x4096xf32>
    %get3A_24 = arith.constant 0 : index
    %get3A_25 = arith.constant 0 : index
    %get3A_26 = vector.load %arg7[%get3A_24, %get3A_25] : memref<128x1xf32, #tpu.memory_space<vmem>>, vector<128x1xf32>
    %add3A_27 = vector.broadcast %get3A_26 : vector<128x1xf32> to vector<128x4096xf32>
    %add3A_28 = arith.addf %mul3A_23, %add3A_27 : vector<128x4096xf32>
    %ge3A = arith.constant 0.000000e+00 : f32
    %ge3A_29 = vector.broadcast %ge3A : f32 to vector<128x4096xf32>
    %ge3A_30 = arith.cmpf oge, %add3A_28, %ge3A_29 : vector<128x4096xf32>
    %mul3A_31 = arith.constant 0.00999999977 : f32
    %mul3A_32 = vector.broadcast %mul3A_31 : f32 to vector<128x4096xf32>
    %mul3A_33 = arith.mulf %mul3A_32, %add3A_28 : vector<128x4096xf32>
    %select_n3A = arith.select %ge3A_30, %add3A_28, %mul3A_33 : vector<128x4096xi1>, vector<128x4096xf32>
    %get3A_34 = arith.constant 0 : index
    %get3A_35 = arith.constant 0 : index
    %get3A_36 = vector.load %arg8[%get3A_34, %get3A_35] : memref<128x128xf32, #tpu.memory_space<vmem>>, vector<128x128xf32>
    %dot_general3A_37 = arith.constant dense<0.000000e+00> : vector<128x4096xf32>
    %dot_general3A_38 = tpu.matmul %get3A_36, %select_n3A, %dot_general3A_37 {dimension_numbers = #tpu.dot_dimension_numbers<[1], [0], [0], [1], [0, 0, 1, 1], [], []>, transpose_lhs_hint = false} : vector<128x128xf32>, vector<128x4096xf32>, vector<128x4096xf32> -> vector<128x4096xf32>
    %get3A_39 = arith.constant 0 : index
    %get3A_40 = arith.constant 0 : index
    %get3A_41 = vector.load %arg9[%get3A_39, %get3A_40] : memref<128x1xf32, #tpu.memory_space<vmem>>, vector<128x1xf32>
    %add3A_42 = vector.broadcast %get3A_41 : vector<128x1xf32> to vector<128x4096xf32>
    %add3A_43 = arith.addf %dot_general3A_38, %add3A_42 : vector<128x4096xf32>
    %ge3A_44 = arith.constant 0.000000e+00 : f32
    %ge3A_45 = vector.broadcast %ge3A_44 : f32 to vector<128x4096xf32>
    %ge3A_46 = arith.cmpf oge, %add3A_43, %ge3A_45 : vector<128x4096xf32>
    %mul3A_47 = arith.constant 0.00999999977 : f32
    %mul3A_48 = vector.broadcast %mul3A_47 : f32 to vector<128x4096xf32>
    %mul3A_49 = arith.mulf %mul3A_48, %add3A_43 : vector<128x4096xf32>
    %select_n3A_50 = arith.select %ge3A_46, %add3A_43, %mul3A_49 : vector<128x4096xi1>, vector<128x4096xf32>
    %get3A_51 = arith.constant 0 : index
    %get3A_52 = arith.constant 0 : index
    %get3A_53 = vector.load %arg10[%get3A_51, %get3A_52] : memref<129x128xf32, #tpu.memory_space<vmem>>, vector<129x128xf32>
    %dot_general3A_54 = arith.constant dense<0.000000e+00> : vector<129x4096xf32>
    %dot_general3A_55 = tpu.matmul %get3A_53, %select_n3A_50, %dot_general3A_54 {dimension_numbers = #tpu.dot_dimension_numbers<[1], [0], [0], [1], [0, 0, 1, 1], [], []>, transpose_lhs_hint = false} : vector<129x128xf32>, vector<128x4096xf32>, vector<129x4096xf32> -> vector<129x4096xf32>
    %get3A_56 = arith.constant 0 : index
    %get3A_57 = arith.constant 0 : index
    %get3A_58 = vector.load %arg11[%get3A_56, %get3A_57] : memref<129x1xf32, #tpu.memory_space<vmem>>, vector<129x1xf32>
    %add3A_59 = vector.broadcast %get3A_58 : vector<129x1xf32> to vector<129x4096xf32>
    %add3A_60 = arith.addf %dot_general3A_55, %add3A_59 : vector<129x4096xf32>
    %slice3A = vector.extract_strided_slice %add3A_60 {offsets = [0, 0], sizes = [128, 4096], strides = [1, 1]} : vector<129x4096xf32> to vector<128x4096xf32>
    %slice3A_61 = vector.extract_strided_slice %add3A_60 {offsets = [128, 0], sizes = [1, 4096], strides = [1, 1]} : vector<129x4096xf32> to vector<1x4096xf32>
    %ge3A_62 = arith.constant 0.000000e+00 : f32
    %ge3A_63 = vector.broadcast %ge3A_62 : f32 to vector<1x4096xf32>
    %ge3A_64 = arith.cmpf oge, %slice3A_61, %ge3A_63 : vector<1x4096xf32>
    %mul3A_65 = arith.constant 0.00999999977 : f32
    %mul3A_66 = vector.broadcast %mul3A_65 : f32 to vector<1x4096xf32>
    %mul3A_67 = arith.mulf %mul3A_66, %slice3A_61 : vector<1x4096xf32>
    %select_n3A_68 = arith.select %ge3A_64, %slice3A_61, %mul3A_67 : vector<1x4096xi1>, vector<1x4096xf32>
    %reduce_max3A = arith.constant dense<0xFF800000> : vector<4096xf32>
    %reduce_max3A_69 = vector.multi_reduction <maximumf>, %slice3A, %reduce_max3A [0] : vector<128x4096xf32> to vector<4096xf32>
    %broadcast_in_dim3A = vector.shape_cast %reduce_max3A_69 : vector<4096xf32> to vector<1x4096xf32>
    %iota3A = tpu.iota {dimensions = array<i32: 0>} : vector<128x4096xi32>
    %ge3A_70 = vector.broadcast %broadcast_in_dim3A : vector<1x4096xf32> to vector<128x4096xf32>
    %ge3A_71 = arith.cmpf oge, %slice3A, %ge3A_70 : vector<128x4096xf32>
    %jit3A = arith.constant 128 : i32
    %broadcast_in_dim3A_72 = vector.broadcast %jit3A : i32 to vector<128x4096xi32>
    %select_n3A_73 = arith.select %ge3A_71, %iota3A, %broadcast_in_dim3A_72 : vector<128x4096xi1>, vector<128x4096xi32>
    %reduce_min3A = arith.constant dense<2147483647> : vector<4096xi32>
    %reduce_min3A_74 = vector.multi_reduction <minsi>, %select_n3A_73, %reduce_min3A [0] : vector<128x4096xi32> to vector<4096xi32>
    %broadcast_in_dim3A_75 = vector.shape_cast %reduce_min3A_74 : vector<4096xi32> to vector<1x4096xi32>
    %eq3A = vector.broadcast %broadcast_in_dim3A_75 : vector<1x4096xi32> to vector<128x4096xi32>
    %eq3A_76 = arith.cmpi eq, %iota3A, %eq3A : vector<128x4096xi32>
    %convert_element_type3A = arith.extui %eq3A_76 : vector<128x4096xi1> to vector<128x4096xi32>
    %convert_element_type3A_77 = arith.sitofp %convert_element_type3A : vector<128x4096xi32> to vector<128x4096xf32>
    %get3A_78 = arith.constant 0 : index
    %get3A_79 = arith.constant 0 : index
    %get3A_80 = vector.load %arg12[%get3A_78, %get3A_79] : memref<128x128xf32, #tpu.memory_space<vmem>>, vector<128x128xf32>
    %dot_general3A_81 = arith.constant dense<0.000000e+00> : vector<128x4096xf32>
    %dot_general3A_82 = tpu.matmul %get3A_80, %get3A_3, %dot_general3A_81 {dimension_numbers = #tpu.dot_dimension_numbers<[1], [0], [0], [1], [0, 0, 1, 1], [], []>, transpose_lhs_hint = false} : vector<128x128xf32>, vector<128x4096xf32>, vector<128x4096xf32> -> vector<128x4096xf32>
    %get3A_83 = arith.constant 0 : index
    %get3A_84 = arith.constant 0 : index
    %get3A_85 = vector.load %arg13[%get3A_83, %get3A_84] : memref<128x1xf32, #tpu.memory_space<vmem>>, vector<128x1xf32>
    %add3A_86 = vector.broadcast %get3A_85 : vector<128x1xf32> to vector<128x4096xf32>
    %add3A_87 = arith.addf %dot_general3A_82, %add3A_86 : vector<128x4096xf32>
    %get3A_88 = arith.constant 0 : index
    %get3A_89 = arith.constant 0 : index
    %get3A_90 = vector.load %arg14[%get3A_88, %get3A_89] : memref<128x1xf32, #tpu.memory_space<vmem>>, vector<128x1xf32>
    %sub3A_91 = vector.broadcast %get3A_90 : vector<128x1xf32> to vector<128x4096xf32>
    %sub3A_92 = arith.subf %add3A_87, %sub3A_91 : vector<128x4096xf32>
    %get3A_93 = arith.constant 0 : index
    %get3A_94 = arith.constant 0 : index
    %get3A_95 = vector.load %arg15[%get3A_93, %get3A_94] : memref<128x1xf32, #tpu.memory_space<vmem>>, vector<128x1xf32>
    %div3A_96 = vector.broadcast %get3A_95 : vector<128x1xf32> to vector<128x4096xf32>
    %div3A_97 = arith.divf %sub3A_92, %div3A_96 : vector<128x4096xf32>
    %get3A_98 = arith.constant 0 : index
    %get3A_99 = arith.constant 0 : index
    %get3A_100 = vector.load %arg16[%get3A_98, %get3A_99] : memref<128x1xf32, #tpu.memory_space<vmem>>, vector<128x1xf32>
    %mul3A_101 = vector.broadcast %get3A_100 : vector<128x1xf32> to vector<128x4096xf32>
    %mul3A_102 = arith.mulf %div3A_97, %mul3A_101 : vector<128x4096xf32>
    %get3A_103 = arith.constant 0 : index
    %get3A_104 = arith.constant 0 : index
    %get3A_105 = vector.load %arg17[%get3A_103, %get3A_104] : memref<128x1xf32, #tpu.memory_space<vmem>>, vector<128x1xf32>
    %add3A_106 = vector.broadcast %get3A_105 : vector<128x1xf32> to vector<128x4096xf32>
    %add3A_107 = arith.addf %mul3A_102, %add3A_106 : vector<128x4096xf32>
    %ge3A_108 = arith.constant 0.000000e+00 : f32
    %ge3A_109 = vector.broadcast %ge3A_108 : f32 to vector<128x4096xf32>
    %ge3A_110 = arith.cmpf oge, %add3A_107, %ge3A_109 : vector<128x4096xf32>
    %mul3A_111 = arith.constant 0.00999999977 : f32
    %mul3A_112 = vector.broadcast %mul3A_111 : f32 to vector<128x4096xf32>
    %mul3A_113 = arith.mulf %mul3A_112, %add3A_107 : vector<128x4096xf32>
    %select_n3A_114 = arith.select %ge3A_110, %add3A_107, %mul3A_113 : vector<128x4096xi1>, vector<128x4096xf32>
    %get3A_115 = arith.constant 0 : index
    %get3A_116 = arith.constant 0 : index
    %get3A_117 = vector.load %arg18[%get3A_115, %get3A_116] : memref<256x128xf32, #tpu.memory_space<vmem>>, vector<256x128xf32>
    %dot_general3A_118 = arith.constant dense<0.000000e+00> : vector<256x4096xf32>
    %dot_general3A_119 = tpu.matmul %get3A_117, %select_n3A_114, %dot_general3A_118 {dimension_numbers = #tpu.dot_dimension_numbers<[1], [0], [0], [1], [0, 0, 1, 1], [], []>, transpose_lhs_hint = false} : vector<256x128xf32>, vector<128x4096xf32>, vector<256x4096xf32> -> vector<256x4096xf32>
    %get3A_120 = arith.constant 0 : index
    %get3A_121 = arith.constant 0 : index
    %get3A_122 = vector.load %arg19[%get3A_120, %get3A_121] : memref<256x128xf32, #tpu.memory_space<vmem>>, vector<256x128xf32>
    %dot_general3A_123 = arith.constant dense<0.000000e+00> : vector<256x4096xf32>
    %dot_general3A_124 = tpu.matmul %get3A_122, %select_n3A, %dot_general3A_123 {dimension_numbers = #tpu.dot_dimension_numbers<[1], [0], [0], [1], [0, 0, 1, 1], [], []>, transpose_lhs_hint = false} : vector<256x128xf32>, vector<128x4096xf32>, vector<256x4096xf32> -> vector<256x4096xf32>
    %add3A_125 = arith.addf %dot_general3A_119, %dot_general3A_124 : vector<256x4096xf32>
    %jit3A_126 = arith.constant 16 : i32
    %div3A_127 = vector.broadcast %jit3A_126 : i32 to vector<1x4096xi32>
    %div3A_128 = arith.divsi %broadcast_in_dim3A_75, %div3A_127 : vector<1x4096xi32>
    %sign3A = arith.constant 0 : i32
    %sign3A_129 = vector.broadcast %sign3A : i32 to vector<1x4096xi32>
    %sign3A_130 = arith.cmpi sgt, %broadcast_in_dim3A_75, %sign3A_129 : vector<1x4096xi32>
    %sign3A_131 = arith.extui %sign3A_130 : vector<1x4096xi1> to vector<1x4096xi32>
    %sign3A_132 = arith.constant 0 : i32
    %sign3A_133 = vector.broadcast %sign3A_132 : i32 to vector<1x4096xi32>
    %sign3A_134 = arith.cmpi slt, %broadcast_in_dim3A_75, %sign3A_133 : vector<1x4096xi32>
    %sign3A_135 = arith.extui %sign3A_134 : vector<1x4096xi1> to vector<1x4096xi32>
    %sign3A_136 = arith.subi %sign3A_131, %sign3A_135 : vector<1x4096xi32>
    %sign3A_137 = arith.constant 0 : i32
    %sign3A_138 = arith.cmpi sgt, %jit3A_126, %sign3A_137 : i32
    %sign3A_139 = arith.extui %sign3A_138 : i1 to i32
    %sign3A_140 = arith.constant 0 : i32
    %sign3A_141 = arith.cmpi slt, %jit3A_126, %sign3A_140 : i32
    %sign3A_142 = arith.extui %sign3A_141 : i1 to i32
    %sign3A_143 = arith.subi %sign3A_139, %sign3A_142 : i32
    %ne3A = vector.broadcast %sign3A_143 : i32 to vector<1x4096xi32>
    %ne3A_144 = arith.cmpi ne, %sign3A_136, %ne3A : vector<1x4096xi32>
    %rem3A = vector.broadcast %jit3A_126 : i32 to vector<1x4096xi32>
    %rem3A_145 = arith.remsi %broadcast_in_dim3A_75, %rem3A : vector<1x4096xi32>
    %ne3A_146 = arith.constant 0 : i32
    %ne3A_147 = vector.broadcast %ne3A_146 : i32 to vector<1x4096xi32>
    %ne3A_148 = arith.cmpi ne, %rem3A_145, %ne3A_147 : vector<1x4096xi32>
    %and3A = arith.andi %ne3A_144, %ne3A_148 : vector<1x4096xi1>
    %sub3A_149 = arith.constant 1 : i32
    %sub3A_150 = vector.broadcast %sub3A_149 : i32 to vector<1x4096xi32>
    %sub3A_151 = arith.subi %div3A_128, %sub3A_150 : vector<1x4096xi32>
    %select_n3A_152 = arith.select %and3A, %sub3A_151, %div3A_128 : vector<1x4096xi1>, vector<1x4096xi32>
    %broadcast_in_dim3A_153 = arith.constant 0.000000e+00 : f32
    %broadcast_in_dim3A_154 = vector.broadcast %broadcast_in_dim3A_153 : f32 to vector<32x4096xf32>
    %eq3A_155 = arith.constant 0 : i32
    %eq3A_156 = vector.broadcast %eq3A_155 : i32 to vector<1x4096xi32>
    %eq3A_157 = arith.cmpi eq, %select_n3A_152, %eq3A_156 : vector<1x4096xi32>
    %slice3A_158 = vector.extract_strided_slice %add3A_125 {offsets = [0, 0], sizes = [32, 4096], strides = [1, 1]} : vector<256x4096xf32> to vector<32x4096xf32>
    %get3A_159 = arith.constant 0 : index
    %get3A_160 = arith.constant 0 : index
    %get3A_161 = vector.load %arg20[%get3A_159, %get3A_160] : memref<32x8xf32, #tpu.memory_space<vmem>>, vector<32x1xf32>
    %add3A_162 = vector.broadcast %get3A_161 : vector<32x1xf32> to vector<32x4096xf32>
    %add3A_163 = arith.addf %slice3A_158, %add3A_162 : vector<32x4096xf32>
    %jit3A_164 = arith.constant 0.000000e+00 : f32
    %broadcast_in_dim3A_165 = vector.shape_cast %eq3A_157 : vector<1x4096xi1> to vector<1x4096xi1>
    %broadcast_in_dim3A_166 = vector.broadcast %broadcast_in_dim3A_165 : vector<1x4096xi1> to vector<32x4096xi1>
    %broadcast_in_dim3A_167 = vector.broadcast %jit3A_164 : f32 to vector<32x4096xf32>
    %select_n3A_168 = arith.select %broadcast_in_dim3A_166, %add3A_163, %broadcast_in_dim3A_167 : vector<32x4096xi1>, vector<32x4096xf32>
    %add3A_169 = arith.addf %broadcast_in_dim3A_154, %select_n3A_168 : vector<32x4096xf32>
    %eq3A_170 = arith.constant 1 : i32
    %eq3A_171 = vector.broadcast %eq3A_170 : i32 to vector<1x4096xi32>
    %eq3A_172 = arith.cmpi eq, %select_n3A_152, %eq3A_171 : vector<1x4096xi32>
    %slice3A_173 = vector.extract_strided_slice %add3A_125 {offsets = [32, 0], sizes = [32, 4096], strides = [1, 1]} : vector<256x4096xf32> to vector<32x4096xf32>
    %get3A_174 = arith.constant 0 : index
    %get3A_175 = arith.constant 1 : index
    %get3A_176 = vector.load %arg20[%get3A_174, %get3A_175] : memref<32x8xf32, #tpu.memory_space<vmem>>, vector<32x1xf32>
    %add3A_177 = vector.broadcast %get3A_176 : vector<32x1xf32> to vector<32x4096xf32>
    %add3A_178 = arith.addf %slice3A_173, %add3A_177 : vector<32x4096xf32>
    %jit3A_179 = arith.constant 0.000000e+00 : f32
    %broadcast_in_dim3A_180 = vector.shape_cast %eq3A_172 : vector<1x4096xi1> to vector<1x4096xi1>
    %broadcast_in_dim3A_181 = vector.broadcast %broadcast_in_dim3A_180 : vector<1x4096xi1> to vector<32x4096xi1>
    %broadcast_in_dim3A_182 = vector.broadcast %jit3A_179 : f32 to vector<32x4096xf32>
    %select_n3A_183 = arith.select %broadcast_in_dim3A_181, %add3A_178, %broadcast_in_dim3A_182 : vector<32x4096xi1>, vector<32x4096xf32>
    %add3A_184 = arith.addf %add3A_169, %select_n3A_183 : vector<32x4096xf32>
    %eq3A_185 = arith.constant 2 : i32
    %eq3A_186 = vector.broadcast %eq3A_185 : i32 to vector<1x4096xi32>
    %eq3A_187 = arith.cmpi eq, %select_n3A_152, %eq3A_186 : vector<1x4096xi32>
    %slice3A_188 = vector.extract_strided_slice %add3A_125 {offsets = [64, 0], sizes = [32, 4096], strides = [1, 1]} : vector<256x4096xf32> to vector<32x4096xf32>
    %get3A_189 = arith.constant 0 : index
    %get3A_190 = arith.constant 2 : index
    %get3A_191 = vector.load %arg20[%get3A_189, %get3A_190] : memref<32x8xf32, #tpu.memory_space<vmem>>, vector<32x1xf32>
    %add3A_192 = vector.broadcast %get3A_191 : vector<32x1xf32> to vector<32x4096xf32>
    %add3A_193 = arith.addf %slice3A_188, %add3A_192 : vector<32x4096xf32>
    %jit3A_194 = arith.constant 0.000000e+00 : f32
    %broadcast_in_dim3A_195 = vector.shape_cast %eq3A_187 : vector<1x4096xi1> to vector<1x4096xi1>
    %broadcast_in_dim3A_196 = vector.broadcast %broadcast_in_dim3A_195 : vector<1x4096xi1> to vector<32x4096xi1>
    %broadcast_in_dim3A_197 = vector.broadcast %jit3A_194 : f32 to vector<32x4096xf32>
    %select_n3A_198 = arith.select %broadcast_in_dim3A_196, %add3A_193, %broadcast_in_dim3A_197 : vector<32x4096xi1>, vector<32x4096xf32>
    %add3A_199 = arith.addf %add3A_184, %select_n3A_198 : vector<32x4096xf32>
    %eq3A_200 = arith.constant 3 : i32
    %eq3A_201 = vector.broadcast %eq3A_200 : i32 to vector<1x4096xi32>
    %eq3A_202 = arith.cmpi eq, %select_n3A_152, %eq3A_201 : vector<1x4096xi32>
    %slice3A_203 = vector.extract_strided_slice %add3A_125 {offsets = [96, 0], sizes = [32, 4096], strides = [1, 1]} : vector<256x4096xf32> to vector<32x4096xf32>
    %get3A_204 = arith.constant 0 : index
    %get3A_205 = arith.constant 3 : index
    %get3A_206 = vector.load %arg20[%get3A_204, %get3A_205] : memref<32x8xf32, #tpu.memory_space<vmem>>, vector<32x1xf32>
    %add3A_207 = vector.broadcast %get3A_206 : vector<32x1xf32> to vector<32x4096xf32>
    %add3A_208 = arith.addf %slice3A_203, %add3A_207 : vector<32x4096xf32>
    %jit3A_209 = arith.constant 0.000000e+00 : f32
    %broadcast_in_dim3A_210 = vector.shape_cast %eq3A_202 : vector<1x4096xi1> to vector<1x4096xi1>
    %broadcast_in_dim3A_211 = vector.broadcast %broadcast_in_dim3A_210 : vector<1x4096xi1> to vector<32x4096xi1>
    %broadcast_in_dim3A_212 = vector.broadcast %jit3A_209 : f32 to vector<32x4096xf32>
    %select_n3A_213 = arith.select %broadcast_in_dim3A_211, %add3A_208, %broadcast_in_dim3A_212 : vector<32x4096xi1>, vector<32x4096xf32>
    %add3A_214 = arith.addf %add3A_199, %select_n3A_213 : vector<32x4096xf32>
    %eq3A_215 = arith.constant 4 : i32
    %eq3A_216 = vector.broadcast %eq3A_215 : i32 to vector<1x4096xi32>
    %eq3A_217 = arith.cmpi eq, %select_n3A_152, %eq3A_216 : vector<1x4096xi32>
    %slice3A_218 = vector.extract_strided_slice %add3A_125 {offsets = [128, 0], sizes = [32, 4096], strides = [1, 1]} : vector<256x4096xf32> to vector<32x4096xf32>
    %get3A_219 = arith.constant 0 : index
    %get3A_220 = arith.constant 4 : index
    %get3A_221 = vector.load %arg20[%get3A_219, %get3A_220] : memref<32x8xf32, #tpu.memory_space<vmem>>, vector<32x1xf32>
    %add3A_222 = vector.broadcast %get3A_221 : vector<32x1xf32> to vector<32x4096xf32>
    %add3A_223 = arith.addf %slice3A_218, %add3A_222 : vector<32x4096xf32>
    %jit3A_224 = arith.constant 0.000000e+00 : f32
    %broadcast_in_dim3A_225 = vector.shape_cast %eq3A_217 : vector<1x4096xi1> to vector<1x4096xi1>
    %broadcast_in_dim3A_226 = vector.broadcast %broadcast_in_dim3A_225 : vector<1x4096xi1> to vector<32x4096xi1>
    %broadcast_in_dim3A_227 = vector.broadcast %jit3A_224 : f32 to vector<32x4096xf32>
    %select_n3A_228 = arith.select %broadcast_in_dim3A_226, %add3A_223, %broadcast_in_dim3A_227 : vector<32x4096xi1>, vector<32x4096xf32>
    %add3A_229 = arith.addf %add3A_214, %select_n3A_228 : vector<32x4096xf32>
    %eq3A_230 = arith.constant 5 : i32
    %eq3A_231 = vector.broadcast %eq3A_230 : i32 to vector<1x4096xi32>
    %eq3A_232 = arith.cmpi eq, %select_n3A_152, %eq3A_231 : vector<1x4096xi32>
    %slice3A_233 = vector.extract_strided_slice %add3A_125 {offsets = [160, 0], sizes = [32, 4096], strides = [1, 1]} : vector<256x4096xf32> to vector<32x4096xf32>
    %get3A_234 = arith.constant 0 : index
    %get3A_235 = arith.constant 5 : index
    %get3A_236 = vector.load %arg20[%get3A_234, %get3A_235] : memref<32x8xf32, #tpu.memory_space<vmem>>, vector<32x1xf32>
    %add3A_237 = vector.broadcast %get3A_236 : vector<32x1xf32> to vector<32x4096xf32>
    %add3A_238 = arith.addf %slice3A_233, %add3A_237 : vector<32x4096xf32>
    %jit3A_239 = arith.constant 0.000000e+00 : f32
    %broadcast_in_dim3A_240 = vector.shape_cast %eq3A_232 : vector<1x4096xi1> to vector<1x4096xi1>
    %broadcast_in_dim3A_241 = vector.broadcast %broadcast_in_dim3A_240 : vector<1x4096xi1> to vector<32x4096xi1>
    %broadcast_in_dim3A_242 = vector.broadcast %jit3A_239 : f32 to vector<32x4096xf32>
    %select_n3A_243 = arith.select %broadcast_in_dim3A_241, %add3A_238, %broadcast_in_dim3A_242 : vector<32x4096xi1>, vector<32x4096xf32>
    %add3A_244 = arith.addf %add3A_229, %select_n3A_243 : vector<32x4096xf32>
    %eq3A_245 = arith.constant 6 : i32
    %eq3A_246 = vector.broadcast %eq3A_245 : i32 to vector<1x4096xi32>
    %eq3A_247 = arith.cmpi eq, %select_n3A_152, %eq3A_246 : vector<1x4096xi32>
    %slice3A_248 = vector.extract_strided_slice %add3A_125 {offsets = [192, 0], sizes = [32, 4096], strides = [1, 1]} : vector<256x4096xf32> to vector<32x4096xf32>
    %get3A_249 = arith.constant 0 : index
    %get3A_250 = arith.constant 6 : index
    %get3A_251 = vector.load %arg20[%get3A_249, %get3A_250] : memref<32x8xf32, #tpu.memory_space<vmem>>, vector<32x1xf32>
    %add3A_252 = vector.broadcast %get3A_251 : vector<32x1xf32> to vector<32x4096xf32>
    %add3A_253 = arith.addf %slice3A_248, %add3A_252 : vector<32x4096xf32>
    %jit3A_254 = arith.constant 0.000000e+00 : f32
    %broadcast_in_dim3A_255 = vector.shape_cast %eq3A_247 : vector<1x4096xi1> to vector<1x4096xi1>
    %broadcast_in_dim3A_256 = vector.broadcast %broadcast_in_dim3A_255 : vector<1x4096xi1> to vector<32x4096xi1>
    %broadcast_in_dim3A_257 = vector.broadcast %jit3A_254 : f32 to vector<32x4096xf32>
    %select_n3A_258 = arith.select %broadcast_in_dim3A_256, %add3A_253, %broadcast_in_dim3A_257 : vector<32x4096xi1>, vector<32x4096xf32>
    %add3A_259 = arith.addf %add3A_244, %select_n3A_258 : vector<32x4096xf32>
    %eq3A_260 = arith.constant 7 : i32
    %eq3A_261 = vector.broadcast %eq3A_260 : i32 to vector<1x4096xi32>
    %eq3A_262 = arith.cmpi eq, %select_n3A_152, %eq3A_261 : vector<1x4096xi32>
    %slice3A_263 = vector.extract_strided_slice %add3A_125 {offsets = [224, 0], sizes = [32, 4096], strides = [1, 1]} : vector<256x4096xf32> to vector<32x4096xf32>
    %get3A_264 = arith.constant 0 : index
    %get3A_265 = arith.constant 7 : index
    %get3A_266 = vector.load %arg20[%get3A_264, %get3A_265] : memref<32x8xf32, #tpu.memory_space<vmem>>, vector<32x1xf32>
    %add3A_267 = vector.broadcast %get3A_266 : vector<32x1xf32> to vector<32x4096xf32>
    %add3A_268 = arith.addf %slice3A_263, %add3A_267 : vector<32x4096xf32>
    %jit3A_269 = arith.constant 0.000000e+00 : f32
    %broadcast_in_dim3A_270 = vector.shape_cast %eq3A_262 : vector<1x4096xi1> to vector<1x4096xi1>
    %broadcast_in_dim3A_271 = vector.broadcast %broadcast_in_dim3A_270 : vector<1x4096xi1> to vector<32x4096xi1>
    %broadcast_in_dim3A_272 = vector.broadcast %jit3A_269 : f32 to vector<32x4096xf32>
    %select_n3A_273 = arith.select %broadcast_in_dim3A_271, %add3A_268, %broadcast_in_dim3A_272 : vector<32x4096xi1>, vector<32x4096xf32>
    %add3A_274 = arith.addf %add3A_259, %select_n3A_273 : vector<32x4096xf32>
    %ge3A_275 = arith.constant 0.000000e+00 : f32
    %ge3A_276 = vector.broadcast %ge3A_275 : f32 to vector<32x4096xf32>
    %ge3A_277 = arith.cmpf oge, %add3A_274, %ge3A_276 : vector<32x4096xf32>
    %mul3A_278 = arith.constant 0.00999999977 : f32
    %mul3A_279 = vector.broadcast %mul3A_278 : f32 to vector<32x4096xf32>
    %mul3A_280 = arith.mulf %mul3A_279, %add3A_274 : vector<32x4096xf32>
    %select_n3A_281 = arith.select %ge3A_277, %add3A_274, %mul3A_280 : vector<32x4096xi1>, vector<32x4096xf32>
    %get3A_282 = arith.constant 0 : index
    %get3A_283 = arith.constant 0 : index
    %get3A_284 = vector.load %arg21[%get3A_282, %get3A_283] : memref<33x128xf32, #tpu.memory_space<vmem>>, vector<33x128xf32>
    %dot_general3A_285 = arith.constant dense<0.000000e+00> : vector<33x4096xf32>
    %dot_general3A_286 = tpu.matmul %get3A_284, %convert_element_type3A_77, %dot_general3A_285 {dimension_numbers = #tpu.dot_dimension_numbers<[1], [0], [0], [1], [0, 0, 1, 1], [], []>, precision = #tpu.contract_precision<fp32>, transpose_lhs_hint = false} : vector<33x128xf32>, vector<128x4096xf32>, vector<33x4096xf32> -> vector<33x4096xf32>
    %slice3A_287 = vector.extract_strided_slice %dot_general3A_286 {offsets = [0, 0], sizes = [32, 4096], strides = [1, 1]} : vector<33x4096xf32> to vector<32x4096xf32>
    %mul3A_288 = arith.mulf %select_n3A_281, %slice3A_287 : vector<32x4096xf32>
    %reduce_sum3A = arith.constant dense<0.000000e+00> : vector<4096xf32>
    %reduce_sum3A_289 = vector.multi_reduction <add>, %mul3A_288, %reduce_sum3A [0] : vector<32x4096xf32> to vector<4096xf32>
    %broadcast_in_dim3A_290 = vector.shape_cast %reduce_sum3A_289 : vector<4096xf32> to vector<1x4096xf32>
    %slice3A_291 = vector.extract_strided_slice %dot_general3A_286 {offsets = [32, 0], sizes = [1, 4096], strides = [1, 1]} : vector<33x4096xf32> to vector<1x4096xf32>
    %add3A_292 = arith.addf %broadcast_in_dim3A_290, %slice3A_291 : vector<1x4096xf32>
    %convert_element_type3A_293 = arith.sitofp %broadcast_in_dim3A_75 : vector<1x4096xi32> to vector<1x4096xf32>
    %add3A_294 = arith.addf %convert_element_type3A_293, %add3A_292 : vector<1x4096xf32>
    %mul3A_295 = arith.constant 7.812500e-03 : f32
    %mul3A_296 = vector.broadcast %mul3A_295 : f32 to vector<1x4096xf32>
    %mul3A_297 = arith.mulf %add3A_294, %mul3A_296 : vector<1x4096xf32>
    %reshape3A = vector.shape_cast %mul3A_297 : vector<1x4096xf32> to vector<1x1x1x4096xf32>
    %swap3A = arith.constant 0 : index
    %swap3A_298 = arith.constant 0 : index
    %swap3A_299 = arith.constant 0 : index
    %swap3A_300 = arith.constant 0 : index
    %swap3A_301 = vector.load %arg22[%swap3A, %swap3A_298, %swap3A_299, %swap3A_300] : memref<1x1x1x4096xf32, #tpu.memory_space<vmem>>, vector<1x1x1x4096xf32>
    tpu.vector_store %arg22[%swap3A, %swap3A_298, %swap3A_299, %swap3A_300], %reshape3A {strides = array<i32>} : memref<1x1x1x4096xf32, #tpu.memory_space<vmem>>, vector<1x1x1x4096xf32>,
    %reshape3A_302 = vector.shape_cast %select_n3A_68 : vector<1x4096xf32> to vector<1x1x1x4096xf32>
    %swap3A_303 = arith.constant 0 : index
    %swap3A_304 = arith.constant 0 : index
    %swap3A_305 = arith.constant 0 : index
    %swap3A_306 = arith.constant 0 : index
    %swap3A_307 = vector.load %arg23[%swap3A_303, %swap3A_304, %swap3A_305, %swap3A_306] : memref<1x1x1x4096xf32, #tpu.memory_space<vmem>>, vector<1x1x1x4096xf32>
    tpu.vector_store %arg23[%swap3A_303, %swap3A_304, %swap3A_305, %swap3A_306], %reshape3A_302 {strides = array<i32>} : memref<1x1x1x4096xf32, #tpu.memory_space<vmem>>, vector<1x1x1x4096xf32>,
    return
  }
  func.func @transform_0(%arg0: i32) -> (i32, i32, i32) {
    %c0_i32 = arith.constant 0 : i32
    %c0_i32_0 = arith.constant 0 : i32
    %c0_i32_1 = arith.constant 0 : i32
    return %arg0, %c0_i32, %c0_i32_0 : i32, i32, i32
  }
  func.func @transform_1(%arg0: i32) -> (i32, i32) {
    %c0_i32 = arith.constant 0 : i32
    %c0_i32_0 = arith.constant 0 : i32
    %c0_i32_1 = arith.constant 0 : i32
    return %c0_i32, %c0_i32_0 : i32, i32
  }
  func.func @transform_2(%arg0: i32) -> (i32, i32) {
    %c0_i32 = arith.constant 0 : i32
    %c0_i32_0 = arith.constant 0 : i32
    %c0_i32_1 = arith.constant 0 : i32
    return %c0_i32, %c0_i32_0 : i32, i32
  }
  func.func @transform_3(%arg0: i32) -> (i32, i32) {
    %c0_i32 = arith.constant 0 : i32
    %c0_i32_0 = arith.constant 0 : i32
    %c0_i32_1 = arith.constant 0 : i32
    return %c0_i32, %c0_i32_0 : i32, i32
  }
  func.func @transform_4(%arg0: i32) -> (i32, i32) {
    %c0_i32 = arith.constant 0 : i32
    %c0_i32_0 = arith.constant 0 : i32
    %c0_i32_1 = arith.constant 0 : i32
    return %c0_i32, %c0_i32_0 : i32, i32
  }
  func.func @transform_5(%arg0: i32) -> (i32, i32) {
    %c0_i32 = arith.constant 0 : i32
    %c0_i32_0 = arith.constant 0 : i32
    %c0_i32_1 = arith.constant 0 : i32
    return %c0_i32, %c0_i32_0 : i32, i32
  }
  func.func @transform_6(%arg0: i32) -> (i32, i32) {
    %c0_i32 = arith.constant 0 : i32
    %c0_i32_0 = arith.constant 0 : i32
    %c0_i32_1 = arith.constant 0 : i32
    return %c0_i32, %c0_i32_0 : i32, i32
  }
  func.func @transform_7(%arg0: i32) -> (i32, i32) {
    %c0_i32 = arith.constant 0 : i32
    %c0_i32_0 = arith.constant 0 : i32
    %c0_i32_1 = arith.constant 0 : i32
    return %c0_i32, %c0_i32_0 : i32, i32
  }
  func.func @transform_8(%arg0: i32) -> (i32, i32) {
    %c0_i32 = arith.constant 0 : i32
    %c0_i32_0 = arith.constant 0 : i32
    %c0_i32_1 = arith.constant 0 : i32
    return %c0_i32, %c0_i32_0 : i32, i32
  }
  func.func @transform_9(%arg0: i32) -> (i32, i32) {
    %c0_i32 = arith.constant 0 : i32
    %c0_i32_0 = arith.constant 0 : i32
    %c0_i32_1 = arith.constant 0 : i32
    return %c0_i32, %c0_i32_0 : i32, i32
  }
  func.func @transform_10(%arg0: i32) -> (i32, i32) {
    %c0_i32 = arith.constant 0 : i32
    %c0_i32_0 = arith.constant 0 : i32
    %c0_i32_1 = arith.constant 0 : i32
    return %c0_i32, %c0_i32_0 : i32, i32
  }
  func.func @transform_11(%arg0: i32) -> (i32, i32) {
    %c0_i32 = arith.constant 0 : i32
    %c0_i32_0 = arith.constant 0 : i32
    %c0_i32_1 = arith.constant 0 : i32
    return %c0_i32, %c0_i32_0 : i32, i32
  }
  func.func @transform_12(%arg0: i32) -> (i32, i32) {
    %c0_i32 = arith.constant 0 : i32
    %c0_i32_0 = arith.constant 0 : i32
    %c0_i32_1 = arith.constant 0 : i32
    return %c0_i32, %c0_i32_0 : i32, i32
  }
  func.func @transform_13(%arg0: i32) -> (i32, i32) {
    %c0_i32 = arith.constant 0 : i32
    %c0_i32_0 = arith.constant 0 : i32
    %c0_i32_1 = arith.constant 0 : i32
    return %c0_i32, %c0_i32_0 : i32, i32
  }
  func.func @transform_14(%arg0: i32) -> (i32, i32) {
    %c0_i32 = arith.constant 0 : i32
    %c0_i32_0 = arith.constant 0 : i32
    %c0_i32_1 = arith.constant 0 : i32
    return %c0_i32, %c0_i32_0 : i32, i32
  }
  func.func @transform_15(%arg0: i32) -> (i32, i32) {
    %c0_i32 = arith.constant 0 : i32
    %c0_i32_0 = arith.constant 0 : i32
    %c0_i32_1 = arith.constant 0 : i32
    return %c0_i32, %c0_i32_0 : i32, i32
  }
  func.func @transform_16(%arg0: i32) -> (i32, i32) {
    %c0_i32 = arith.constant 0 : i32
    %c0_i32_0 = arith.constant 0 : i32
    %c0_i32_1 = arith.constant 0 : i32
    return %c0_i32, %c0_i32_0 : i32, i32
  }
  func.func @transform_17(%arg0: i32) -> (i32, i32) {
    %c0_i32 = arith.constant 0 : i32
    %c0_i32_0 = arith.constant 0 : i32
    %c0_i32_1 = arith.constant 0 : i32
    return %c0_i32, %c0_i32_0 : i32, i32
  }
  func.func @transform_18(%arg0: i32) -> (i32, i32) {
    %c0_i32 = arith.constant 0 : i32
    %c0_i32_0 = arith.constant 0 : i32
    %c0_i32_1 = arith.constant 0 : i32
    return %c0_i32, %c0_i32_0 : i32, i32
  }
  func.func @transform_19(%arg0: i32) -> (i32, i32) {
    %c0_i32 = arith.constant 0 : i32
    %c0_i32_0 = arith.constant 0 : i32
    %c0_i32_1 = arith.constant 0 : i32
    return %c0_i32, %c0_i32_0 : i32, i32
  }
  func.func @transform_20(%arg0: i32) -> (i32, i32) {
    %c0_i32 = arith.constant 0 : i32
    %c0_i32_0 = arith.constant 0 : i32
    %c0_i32_1 = arith.constant 0 : i32
    return %c0_i32, %c0_i32_0 : i32, i32
  }
  func.func @transform_21(%arg0: i32) -> (i32, i32, i32, i32) {
    %c0_i32 = arith.constant 0 : i32
    %c0_i32_0 = arith.constant 0 : i32
    %c0_i32_1 = arith.constant 0 : i32
    %c0_i32_2 = arith.constant 0 : i32
    return %arg0, %c0_i32, %c0_i32_0, %c0_i32_1 : i32, i32, i32, i32
  }
  func.func @transform_22(%arg0: i32) -> (i32, i32, i32, i32) {
    %c0_i32 = arith.constant 0 : i32
    %c0_i32_0 = arith.constant 0 : i32
    %c0_i32_1 = arith.constant 0 : i32
    %c0_i32_2 = arith.constant 0 : i32
    return %arg0, %c0_i32, %c0_i32_0, %c0_i32_1 : i32, i32, i32, i32
  }
}

module attributes {stable_mosaic.version = 14 : i64} {
  func.func @_stats_body(%arg0: i32, %arg1: memref<1x128x4096xf32, #tpu.memory_space<vmem>>, %arg2: memref<128x128xf32, #tpu.memory_space<vmem>>, %arg3: memref<128x1xf32, #tpu.memory_space<vmem>>, %arg4: memref<128x128xf32, #tpu.memory_space<vmem>>, %arg5: memref<128x1xf32, #tpu.memory_space<vmem>>, %arg6: memref<128x1xf32, #tpu.memory_space<vmem>>, %arg7: memref<128x1xf32, #tpu.memory_space<vmem>>, %arg8: memref<128x1xf32, #tpu.memory_space<vmem>>, %arg9: memref<128x1xf32, #tpu.memory_space<vmem>>, %arg10: memref<128x1xf32, #tpu.memory_space<vmem>>, %arg11: memref<128x1xf32, #tpu.memory_space<vmem>>, %arg12: memref<128x1xf32, #tpu.memory_space<vmem>>, %arg13: memref<128x1xf32, #tpu.memory_space<vmem>>) attributes {dimension_semantics = [#tpu.dimension_semantics<arbitrary>], iteration_bounds = array<i64: 32>, scalar_prefetch = 0 : i64, scratch_operands = 4 : i64, tpu.core_type = #tpu.core_type<tc>, window_params = [{transform_indices = @transform_0, window_bounds = array<i64: 1, 128, 4096>}, {pipeline_mode = #tpu.pipeline_mode<synchronous>, transform_indices = @transform_1, window_bounds = array<i64: 128, 128>}, {pipeline_mode = #tpu.pipeline_mode<synchronous>, transform_indices = @transform_2, window_bounds = array<i64: 128, 1>}, {pipeline_mode = #tpu.pipeline_mode<synchronous>, transform_indices = @transform_3, window_bounds = array<i64: 128, 128>}, {pipeline_mode = #tpu.pipeline_mode<synchronous>, transform_indices = @transform_4, window_bounds = array<i64: 128, 1>}, {pipeline_mode = #tpu.pipeline_mode<synchronous>, transform_indices = @transform_5, window_bounds = array<i64: 128, 1>}, {pipeline_mode = #tpu.pipeline_mode<synchronous>, transform_indices = @transform_6, window_bounds = array<i64: 128, 1>}, {pipeline_mode = #tpu.pipeline_mode<synchronous>, transform_indices = @transform_7, window_bounds = array<i64: 128, 1>}, {pipeline_mode = #tpu.pipeline_mode<synchronous>, transform_indices = @transform_8, window_bounds = array<i64: 128, 1>}]} {
    %get3A = arith.constant 0 : index
    %get3A_0 = arith.constant 0 : index
    %get3A_1 = arith.constant 0 : index
    %get3A_2 = vector.load %arg1[%get3A, %get3A_0, %get3A_1] : memref<1x128x4096xf32, #tpu.memory_space<vmem>>, vector<1x128x4096xf32>
    %get3A_3 = vector.shape_cast %get3A_2 : vector<1x128x4096xf32> to vector<128x4096xf32>
    %get3A_4 = arith.constant 0 : index
    %get3A_5 = arith.constant 0 : index
    %get3A_6 = vector.load %arg2[%get3A_4, %get3A_5] : memref<128x128xf32, #tpu.memory_space<vmem>>, vector<128x128xf32>
    %dot_general3A = arith.constant dense<0.000000e+00> : vector<128x4096xf32>
    %dot_general3A_7 = tpu.matmul %get3A_6, %get3A_3, %dot_general3A {dimension_numbers = #tpu.dot_dimension_numbers<[1], [0], [0], [1], [0, 0, 1, 1], [], []>, transpose_lhs_hint = false} : vector<128x128xf32>, vector<128x4096xf32>, vector<128x4096xf32> -> vector<128x4096xf32>
    %get3A_8 = arith.constant 0 : index
    %get3A_9 = arith.constant 0 : index
    %get3A_10 = vector.load %arg3[%get3A_8, %get3A_9] : memref<128x1xf32, #tpu.memory_space<vmem>>, vector<128x1xf32>
    %add3A = vector.broadcast %get3A_10 : vector<128x1xf32> to vector<128x4096xf32>
    %add3A_11 = arith.addf %dot_general3A_7, %add3A : vector<128x4096xf32>
    %get3A_12 = arith.constant 0 : index
    %get3A_13 = arith.constant 0 : index
    %get3A_14 = vector.load %arg4[%get3A_12, %get3A_13] : memref<128x128xf32, #tpu.memory_space<vmem>>, vector<128x128xf32>
    %dot_general3A_15 = arith.constant dense<0.000000e+00> : vector<128x4096xf32>
    %dot_general3A_16 = tpu.matmul %get3A_14, %get3A_3, %dot_general3A_15 {dimension_numbers = #tpu.dot_dimension_numbers<[1], [0], [0], [1], [0, 0, 1, 1], [], []>, transpose_lhs_hint = false} : vector<128x128xf32>, vector<128x4096xf32>, vector<128x4096xf32> -> vector<128x4096xf32>
    %get3A_17 = arith.constant 0 : index
    %get3A_18 = arith.constant 0 : index
    %get3A_19 = vector.load %arg5[%get3A_17, %get3A_18] : memref<128x1xf32, #tpu.memory_space<vmem>>, vector<128x1xf32>
    %add3A_20 = vector.broadcast %get3A_19 : vector<128x1xf32> to vector<128x4096xf32>
    %add3A_21 = arith.addf %dot_general3A_16, %add3A_20 : vector<128x4096xf32>
    %eq3A = arith.constant 0 : i32
    %eq3A_22 = arith.cmpi eq, %arg0, %eq3A : i32
    %eq3A_23 = arith.constant 16 : i32
    %eq3A_24 = arith.cmpi eq, %arg0, %eq3A_23 : i32
    %or3A = arith.ori %eq3A_22, %eq3A_24 : i1
    %convert_element_type3A = arith.extui %or3A : i1 to i32
    %cond3A = arith.constant 0 : i32
    %cond3A_25 = arith.cmpi ne, %convert_element_type3A, %cond3A : i32
    scf.if %cond3A_25 {
      %broadcast_in_dim3A = arith.constant 0.000000e+00 : f32
      %broadcast_in_dim3A_44 = vector.broadcast %broadcast_in_dim3A : f32 to vector<128x1xf32>
      %swap3A = arith.constant 0 : index
      %swap3A_45 = arith.constant 0 : index
      %swap3A_46 = vector.load %arg10[%swap3A, %swap3A_45] : memref<128x1xf32, #tpu.memory_space<vmem>>, vector<128x1xf32>
      tpu.vector_store %arg10[%swap3A, %swap3A_45], %broadcast_in_dim3A_44 {strides = array<i32>} : memref<128x1xf32, #tpu.memory_space<vmem>>, vector<128x1xf32>,
      %broadcast_in_dim3A_47 = arith.constant 0.000000e+00 : f32
      %broadcast_in_dim3A_48 = vector.broadcast %broadcast_in_dim3A_47 : f32 to vector<128x1xf32>
      %swap3A_49 = arith.constant 0 : index
      %swap3A_50 = arith.constant 0 : index
      %swap3A_51 = vector.load %arg11[%swap3A_49, %swap3A_50] : memref<128x1xf32, #tpu.memory_space<vmem>>, vector<128x1xf32>
      tpu.vector_store %arg11[%swap3A_49, %swap3A_50], %broadcast_in_dim3A_48 {strides = array<i32>} : memref<128x1xf32, #tpu.memory_space<vmem>>, vector<128x1xf32>,
    } else {
    }
    %lt3A = arith.constant 16 : i32
    %lt3A_26 = arith.cmpi slt, %arg0, %lt3A : i32
    %convert_element_type3A_27 = arith.extui %lt3A_26 : i1 to i32
    %cond3A_28 = arith.constant 0 : i32
    %cond3A_29 = arith.cmpi ne, %convert_element_type3A_27, %cond3A_28 : i32
    scf.if %cond3A_29 {
      %get3A_44 = arith.constant 0 : index
      %get3A_45 = arith.constant 0 : index
      %get3A_46 = vector.load %arg10[%get3A_44, %get3A_45] : memref<128x1xf32, #tpu.memory_space<vmem>>, vector<128x1xf32>
      %reduce_sum3A = arith.constant dense<0.000000e+00> : vector<128xf32>
      %reduce_sum3A_47 = vector.multi_reduction <add>, %add3A_11, %reduce_sum3A [1] : vector<128x4096xf32> to vector<128xf32>
      %broadcast_in_dim3A = vector.shape_cast %reduce_sum3A_47 : vector<128xf32> to vector<128x1xf32>
      %add3A_48 = arith.addf %get3A_46, %broadcast_in_dim3A : vector<128x1xf32>
      %swap3A = arith.constant 0 : index
      %swap3A_49 = arith.constant 0 : index
      %swap3A_50 = vector.load %arg10[%swap3A, %swap3A_49] : memref<128x1xf32, #tpu.memory_space<vmem>>, vector<128x1xf32>
      tpu.vector_store %arg10[%swap3A, %swap3A_49], %add3A_48 {strides = array<i32>} : memref<128x1xf32, #tpu.memory_space<vmem>>, vector<128x1xf32>,
      %get3A_51 = arith.constant 0 : index
      %get3A_52 = arith.constant 0 : index
      %get3A_53 = vector.load %arg11[%get3A_51, %get3A_52] : memref<128x1xf32, #tpu.memory_space<vmem>>, vector<128x1xf32>
      %reduce_sum3A_54 = arith.constant dense<0.000000e+00> : vector<128xf32>
      %reduce_sum3A_55 = vector.multi_reduction <add>, %add3A_21, %reduce_sum3A_54 [1] : vector<128x4096xf32> to vector<128xf32>
      %broadcast_in_dim3A_56 = vector.shape_cast %reduce_sum3A_55 : vector<128xf32> to vector<128x1xf32>
      %add3A_57 = arith.addf %get3A_53, %broadcast_in_dim3A_56 : vector<128x1xf32>
      %swap3A_58 = arith.constant 0 : index
      %swap3A_59 = arith.constant 0 : index
      %swap3A_60 = vector.load %arg11[%swap3A_58, %swap3A_59] : memref<128x1xf32, #tpu.memory_space<vmem>>, vector<128x1xf32>
      tpu.vector_store %arg11[%swap3A_58, %swap3A_59], %add3A_57 {strides = array<i32>} : memref<128x1xf32, #tpu.memory_space<vmem>>, vector<128x1xf32>,
    } else {
    }
    %eq3A_30 = arith.constant 15 : i32
    %eq3A_31 = arith.cmpi eq, %arg0, %eq3A_30 : i32
    %convert_element_type3A_32 = arith.extui %eq3A_31 : i1 to i32
    %cond3A_33 = arith.constant 0 : i32
    %cond3A_34 = arith.cmpi ne, %convert_element_type3A_32, %cond3A_33 : i32
    scf.if %cond3A_34 {
      %get3A_44 = arith.constant 0 : index
      %get3A_45 = arith.constant 0 : index
      %get3A_46 = vector.load %arg10[%get3A_44, %get3A_45] : memref<128x1xf32, #tpu.memory_space<vmem>>, vector<128x1xf32>
      %mul3A = arith.constant 1.52587891E-5 : f32
      %mul3A_47 = vector.broadcast %mul3A : f32 to vector<128x1xf32>
      %mul3A_48 = arith.mulf %get3A_46, %mul3A_47 : vector<128x1xf32>
      %swap3A = arith.constant 0 : index
      %swap3A_49 = arith.constant 0 : index
      %swap3A_50 = vector.load %arg12[%swap3A, %swap3A_49] : memref<128x1xf32, #tpu.memory_space<vmem>>, vector<128x1xf32>
      tpu.vector_store %arg12[%swap3A, %swap3A_49], %mul3A_48 {strides = array<i32>} : memref<128x1xf32, #tpu.memory_space<vmem>>, vector<128x1xf32>,
      %get3A_51 = arith.constant 0 : index
      %get3A_52 = arith.constant 0 : index
      %get3A_53 = vector.load %arg11[%get3A_51, %get3A_52] : memref<128x1xf32, #tpu.memory_space<vmem>>, vector<128x1xf32>
      %mul3A_54 = arith.constant 1.52587891E-5 : f32
      %mul3A_55 = vector.broadcast %mul3A_54 : f32 to vector<128x1xf32>
      %mul3A_56 = arith.mulf %get3A_53, %mul3A_55 : vector<128x1xf32>
      %swap3A_57 = arith.constant 0 : index
      %swap3A_58 = arith.constant 0 : index
      %swap3A_59 = vector.load %arg13[%swap3A_57, %swap3A_58] : memref<128x1xf32, #tpu.memory_space<vmem>>, vector<128x1xf32>
      tpu.vector_store %arg13[%swap3A_57, %swap3A_58], %mul3A_56 {strides = array<i32>} : memref<128x1xf32, #tpu.memory_space<vmem>>, vector<128x1xf32>,
    } else {
    }
    %ge3A = arith.constant 16 : i32
    %ge3A_35 = arith.cmpi sge, %arg0, %ge3A : i32
    %convert_element_type3A_36 = arith.extui %ge3A_35 : i1 to i32
    %cond3A_37 = arith.constant 0 : i32
    %cond3A_38 = arith.cmpi ne, %convert_element_type3A_36, %cond3A_37 : i32
    scf.if %cond3A_38 {
      %get3A_44 = arith.constant 0 : index
      %get3A_45 = arith.constant 0 : index
      %get3A_46 = vector.load %arg12[%get3A_44, %get3A_45] : memref<128x1xf32, #tpu.memory_space<vmem>>, vector<128x1xf32>
      %sub3A = vector.broadcast %get3A_46 : vector<128x1xf32> to vector<128x4096xf32>
      %sub3A_47 = arith.subf %add3A_11, %sub3A : vector<128x4096xf32>
      %get3A_48 = arith.constant 0 : index
      %get3A_49 = arith.constant 0 : index
      %get3A_50 = vector.load %arg13[%get3A_48, %get3A_49] : memref<128x1xf32, #tpu.memory_space<vmem>>, vector<128x1xf32>
      %sub3A_51 = vector.broadcast %get3A_50 : vector<128x1xf32> to vector<128x4096xf32>
      %sub3A_52 = arith.subf %add3A_21, %sub3A_51 : vector<128x4096xf32>
      %get3A_53 = arith.constant 0 : index
      %get3A_54 = arith.constant 0 : index
      %get3A_55 = vector.load %arg10[%get3A_53, %get3A_54] : memref<128x1xf32, #tpu.memory_space<vmem>>, vector<128x1xf32>
      %mul3A = arith.mulf %sub3A_47, %sub3A_47 : vector<128x4096xf32>
      %reduce_sum3A = arith.constant dense<0.000000e+00> : vector<128xf32>
      %reduce_sum3A_56 = vector.multi_reduction <add>, %mul3A, %reduce_sum3A [1] : vector<128x4096xf32> to vector<128xf32>
      %broadcast_in_dim3A = vector.shape_cast %reduce_sum3A_56 : vector<128xf32> to vector<128x1xf32>
      %add3A_57 = arith.addf %get3A_55, %broadcast_in_dim3A : vector<128x1xf32>
      %swap3A = arith.constant 0 : index
      %swap3A_58 = arith.constant 0 : index
      %swap3A_59 = vector.load %arg10[%swap3A, %swap3A_58] : memref<128x1xf32, #tpu.memory_space<vmem>>, vector<128x1xf32>
      tpu.vector_store %arg10[%swap3A, %swap3A_58], %add3A_57 {strides = array<i32>} : memref<128x1xf32, #tpu.memory_space<vmem>>, vector<128x1xf32>,
      %get3A_60 = arith.constant 0 : index
      %get3A_61 = arith.constant 0 : index
      %get3A_62 = vector.load %arg11[%get3A_60, %get3A_61] : memref<128x1xf32, #tpu.memory_space<vmem>>, vector<128x1xf32>
      %mul3A_63 = arith.mulf %sub3A_52, %sub3A_52 : vector<128x4096xf32>
      %reduce_sum3A_64 = arith.constant dense<0.000000e+00> : vector<128xf32>
      %reduce_sum3A_65 = vector.multi_reduction <add>, %mul3A_63, %reduce_sum3A_64 [1] : vector<128x4096xf32> to vector<128xf32>
      %broadcast_in_dim3A_66 = vector.shape_cast %reduce_sum3A_65 : vector<128xf32> to vector<128x1xf32>
      %add3A_67 = arith.addf %get3A_62, %broadcast_in_dim3A_66 : vector<128x1xf32>
      %swap3A_68 = arith.constant 0 : index
      %swap3A_69 = arith.constant 0 : index
      %swap3A_70 = vector.load %arg11[%swap3A_68, %swap3A_69] : memref<128x1xf32, #tpu.memory_space<vmem>>, vector<128x1xf32>
      tpu.vector_store %arg11[%swap3A_68, %swap3A_69], %add3A_67 {strides = array<i32>} : memref<128x1xf32, #tpu.memory_space<vmem>>, vector<128x1xf32>,
    } else {
    }
    %eq3A_39 = arith.constant 31 : i32
    %eq3A_40 = arith.cmpi eq, %arg0, %eq3A_39 : i32
    %convert_element_type3A_41 = arith.extui %eq3A_40 : i1 to i32
    %cond3A_42 = arith.constant 0 : i32
    %cond3A_43 = arith.cmpi ne, %convert_element_type3A_41, %cond3A_42 : i32
    scf.if %cond3A_43 {
      %get3A_44 = arith.constant 0 : index
      %get3A_45 = arith.constant 0 : index
      %get3A_46 = vector.load %arg12[%get3A_44, %get3A_45] : memref<128x1xf32, #tpu.memory_space<vmem>>, vector<128x1xf32>
      %swap3A = arith.constant 0 : index
      %swap3A_47 = arith.constant 0 : index
      %swap3A_48 = vector.load %arg6[%swap3A, %swap3A_47] : memref<128x1xf32, #tpu.memory_space<vmem>>, vector<128x1xf32>
      tpu.vector_store %arg6[%swap3A, %swap3A_47], %get3A_46 {strides = array<i32>} : memref<128x1xf32, #tpu.memory_space<vmem>>, vector<128x1xf32>,
      %get3A_49 = arith.constant 0 : index
      %get3A_50 = arith.constant 0 : index
      %get3A_51 = vector.load %arg13[%get3A_49, %get3A_50] : memref<128x1xf32, #tpu.memory_space<vmem>>, vector<128x1xf32>
      %swap3A_52 = arith.constant 0 : index
      %swap3A_53 = arith.constant 0 : index
      %swap3A_54 = vector.load %arg8[%swap3A_52, %swap3A_53] : memref<128x1xf32, #tpu.memory_space<vmem>>, vector<128x1xf32>
      tpu.vector_store %arg8[%swap3A_52, %swap3A_53], %get3A_51 {strides = array<i32>} : memref<128x1xf32, #tpu.memory_space<vmem>>, vector<128x1xf32>,
      %get3A_55 = arith.constant 0 : index
      %get3A_56 = arith.constant 0 : index
      %get3A_57 = vector.load %arg10[%get3A_55, %get3A_56] : memref<128x1xf32, #tpu.memory_space<vmem>>, vector<128x1xf32>
      %mul3A = arith.constant 1.52587891E-5 : f32
      %mul3A_58 = vector.broadcast %mul3A : f32 to vector<128x1xf32>
      %mul3A_59 = arith.mulf %get3A_57, %mul3A_58 : vector<128x1xf32>
      %add3A_60 = arith.constant 9.99999974E-6 : f32
      %add3A_61 = vector.broadcast %add3A_60 : f32 to vector<128x1xf32>
      %add3A_62 = arith.addf %mul3A_59, %add3A_61 : vector<128x1xf32>
      %sqrt3A = math.sqrt %add3A_62 : vector<128x1xf32>
      %swap3A_63 = arith.constant 0 : index
      %swap3A_64 = arith.constant 0 : index
      %swap3A_65 = vector.load %arg7[%swap3A_63, %swap3A_64] : memref<128x1xf32, #tpu.memory_space<vmem>>, vector<128x1xf32>
      tpu.vector_store %arg7[%swap3A_63, %swap3A_64], %sqrt3A {strides = array<i32>} : memref<128x1xf32, #tpu.memory_space<vmem>>, vector<128x1xf32>,
      %get3A_66 = arith.constant 0 : index
      %get3A_67 = arith.constant 0 : index
      %get3A_68 = vector.load %arg11[%get3A_66, %get3A_67] : memref<128x1xf32, #tpu.memory_space<vmem>>, vector<128x1xf32>
      %mul3A_69 = arith.constant 1.52587891E-5 : f32
      %mul3A_70 = vector.broadcast %mul3A_69 : f32 to vector<128x1xf32>
      %mul3A_71 = arith.mulf %get3A_68, %mul3A_70 : vector<128x1xf32>
      %add3A_72 = arith.constant 9.99999974E-6 : f32
      %add3A_73 = vector.broadcast %add3A_72 : f32 to vector<128x1xf32>
      %add3A_74 = arith.addf %mul3A_71, %add3A_73 : vector<128x1xf32>
      %sqrt3A_75 = math.sqrt %add3A_74 : vector<128x1xf32>
      %swap3A_76 = arith.constant 0 : index
      %swap3A_77 = arith.constant 0 : index
      %swap3A_78 = vector.load %arg9[%swap3A_76, %swap3A_77] : memref<128x1xf32, #tpu.memory_space<vmem>>, vector<128x1xf32>
      tpu.vector_store %arg9[%swap3A_76, %swap3A_77], %sqrt3A_75 {strides = array<i32>} : memref<128x1xf32, #tpu.memory_space<vmem>>, vector<128x1xf32>,
    } else {
    }
    return
  }
  func.func @transform_0(%arg0: i32) -> (i32, i32, i32) {
    %jit3A = arith.constant 16 : i32
    %eq3A = arith.constant 0 : i32
    %eq3A_0 = arith.cmpi eq, %jit3A, %eq3A : i32
    %jit3A_1 = arith.constant 1 : i32
    %select_n3A = arith.select %eq3A_0, %jit3A_1, %jit3A : i32
    %rem3A = arith.remsi %arg0, %select_n3A : i32
    %ne3A = arith.constant 0 : i32
    %ne3A_2 = arith.cmpi ne, %rem3A, %ne3A : i32
    %lt3A = arith.constant 0 : i32
    %lt3A_3 = arith.cmpi slt, %rem3A, %lt3A : i32
    %lt3A_4 = arith.constant 0 : i32
    %lt3A_5 = arith.cmpi slt, %select_n3A, %lt3A_4 : i32
    %ne3A_6 = arith.xori %lt3A_3, %lt3A_5 : i1
    %and3A = arith.andi %ne3A_6, %ne3A_2 : i1
    %add3A = arith.addi %rem3A, %select_n3A : i32
    %select_n3A_7 = arith.select %and3A, %add3A, %rem3A : i32
    %c0_i32 = arith.constant 0 : i32
    %c0_i32_8 = arith.constant 0 : i32
    %c0_i32_9 = arith.constant 0 : i32
    return %select_n3A_7, %c0_i32, %c0_i32_8 : i32, i32, i32
  }
  func.func @transform_1(%arg0: i32) -> (i32, i32) {
    %c0_i32 = arith.constant 0 : i32
    %c0_i32_0 = arith.constant 0 : i32
    %c0_i32_1 = arith.constant 0 : i32
    return %c0_i32, %c0_i32_0 : i32, i32
  }
  func.func @transform_2(%arg0: i32) -> (i32, i32) {
    %c0_i32 = arith.constant 0 : i32
    %c0_i32_0 = arith.constant 0 : i32
    %c0_i32_1 = arith.constant 0 : i32
    return %c0_i32, %c0_i32_0 : i32, i32
  }
  func.func @transform_3(%arg0: i32) -> (i32, i32) {
    %c0_i32 = arith.constant 0 : i32
    %c0_i32_0 = arith.constant 0 : i32
    %c0_i32_1 = arith.constant 0 : i32
    return %c0_i32, %c0_i32_0 : i32, i32
  }
  func.func @transform_4(%arg0: i32) -> (i32, i32) {
    %c0_i32 = arith.constant 0 : i32
    %c0_i32_0 = arith.constant 0 : i32
    %c0_i32_1 = arith.constant 0 : i32
    return %c0_i32, %c0_i32_0 : i32, i32
  }
  func.func @transform_5(%arg0: i32) -> (i32, i32) {
    %c0_i32 = arith.constant 0 : i32
    %c0_i32_0 = arith.constant 0 : i32
    %c0_i32_1 = arith.constant 0 : i32
    return %c0_i32, %c0_i32_0 : i32, i32
  }
  func.func @transform_6(%arg0: i32) -> (i32, i32) {
    %c0_i32 = arith.constant 0 : i32
    %c0_i32_0 = arith.constant 0 : i32
    %c0_i32_1 = arith.constant 0 : i32
    return %c0_i32, %c0_i32_0 : i32, i32
  }
  func.func @transform_7(%arg0: i32) -> (i32, i32) {
    %c0_i32 = arith.constant 0 : i32
    %c0_i32_0 = arith.constant 0 : i32
    %c0_i32_1 = arith.constant 0 : i32
    return %c0_i32, %c0_i32_0 : i32, i32
  }
  func.func @transform_8(%arg0: i32) -> (i32, i32) {
    %c0_i32 = arith.constant 0 : i32
    %c0_i32_0 = arith.constant 0 : i32
    %c0_i32_1 = arith.constant 0 : i32
    return %c0_i32, %c0_i32_0 : i32, i32
  }
}

</mosaic_0001>

<sc_bundles>
// kernel: sparse-core-data-format-call.cloned.1.call-start
scs
called_computation_lowered:
.L_overlay_start_0:
0x0: {  	s2 =	sld [smem:$0x3FD9]  }
0x1: {  	s3 =	sld [smem:$0x3FFE];
	_ =	sdelay $0x1  }
0x2: {  	s1 =	srdreg.scid  }
0x3: {  	s0 =	sand.u32 $0x1, s1  }
0x4: {  	s18 =	sshll.u32 s0, $0xA;
	s2 =	sadd.s32 s3, s2  }
0x5: {  	s2 =	sadd.s32 s2, s18  }
0x6: {  	[smem:$0x3FB7] =	sst s2  }
0x7: {  	_ = 	snop  }
0x8: {  	s2 =	sld [smem:$0x3FC9];
	(tm) =	ssettm $0x1  }
0x9: {  	s19 =	sld [smem:$0x3FFB];
	_ =	sdelay $0x3  }
0xa: {  	_ =	strace s19  }
0xb: {  	s3 =	sld [smem:$0x3FFC];
	_ =	sdelay $0x3  }
0xc: {  	_ =	strace s3  }
0xd: {  	s3 =	sld [smem:$0x3FFD];
	_ =	sdelay $0x3  }
0xe: {  	_ =	strace s3  }
0xf: {  	_ =	strace $0x8FFFFFFF  }
0x10: {  	s20 =	sld [smem:$0x3FDB];
	_ =	sdelay $0x1  }
0x11: {  	s4 =	simm.s32 $_scs_section_size  }
0x12: {  	s5 =	simm.s32 $_size__tile_overlayer_lowered;
	s6 =	simm.s32 $_tile_overlayer_lowered  }
0x13: {  	s23 =	simm.s32 $0x1BFF;
	s22 =	sshll.u32 s6, $0x1;
	s3 =	sadd.s32 s4, s20  }
0x14: {  	s7 =	simm.s32 $0x0;
	s21 =	sshll.u32 s5, $0x1;
	s5 =	sadd.s32 s22, s3  }
0x15: {  	[timem:s7], [sflag:s23] =	dma.local [hbm:s5], s21  }
0x16: {  	_ =	swait.ge [sflag:s23], s21  }
0x17: {  	s4 =	ssub.s32 $0x0, s21;
	[sflag:s23] =	ssyncset.done $0x0  }
0x18: {  	[sflag:s23] =	ssyncadd.s32 s4;
	_ =	sdelay $0x1  }
0x19: {  	s24 =	simm.s32 $0x1B8B  }
0x1a: {  	_ =	swait.ge [sflag:s24], $0x1  }
0x1b: {  	[sflag:s24] =	ssyncset.done $0x0  }
0x1c: {  	s26 =	simm.s32 $0x1B8E;
	s25 =	sld [smem:$0x3FFE];
	[sflag:s24] =	ssyncadd.s32 $0xFFFFFFFF  }
0x1d: {  	s27 =	simm.s32 $execute0_lowered;
	[smem:$0x3FD2] =	sst s26  }
0x1e: {  	s5 =	sshll.u32 s27, $0x1;
	_ =	strace $0x80000046;
	[dreg:$0x1] =	wrdreg $0xFFFFFFFF  }
0x1f: {  	s28 =	simm.s32 $_size_execute0_lowered;
	s3 =	sadd.s32 s3, s5;
	[dreg:$0x0] =	wrdreg $0x0  }
0x20: {  	s5 =	sshll.u32 s28, $0x1;
	[dreg:$0x2] =	wrdreg s3  }
0x21: {  	[dreg:$0x3] =	wrdreg s5  }
0x22: {  	[dreg:$0x4] =	wrdreg $0xC0  }
0x23: {  	_ =	task [dreg:s7], $0x5FFFF  }
0x24: {  	[dreg:$0x1] =	wrdreg $0xFFFFFFFF  }
0x25: {  	[dreg:$0x0] =	wrdreg $0x60  }
0x26: {  	[dreg:$0x2] =	wrdreg s2  }
0x27: {  	[dreg:$0x3] =	wrdreg s25  }
0x28: {  	[dreg:$0x4] =	wrdreg $0x9  }
0x29: {  	_ =	task.clear_ibuf [dreg:s7], $0x5FFFF;
	_ =	strace $0x90000046  }
0x2a: {  	s29 =	simm.s32 $0x9;
	_ =	strace $0x80000048  }
0x2b: {  	_ =	swait.ge [sflag:s29], $0x1  }
0x2c: {  	[sflag:s29] =	ssyncadd.s32 $0xFFFFFFFF  }
0x2d: {  	_ =	strace $0x90000048  }
0x2e: {  	_ =	sfence  }
0x2f: {  	s30 =	sld [smem:$0x0];
	_ =	sdelay $0x2  }
0x30: {  	s31 =	sshll.u32 s1, $0xD;
	s1 =	sshrl.u32 s1, $0x2  }
0x31: {  	s3 =	sand.u32 $0x4000, s31;
	s1 =	sadd.s32 s1, s30  }
0x32: {  	s0 =	sor.u32 s3, s0;
	s1 =	sshll.u32 s1, $0x11  }
0x33: {  	s0 =	sor.u32 s1, s0  }
0x34: {  	s0 =	sadd.s32 $0x8F2B, s0  }
0x35: {  	[sflag:s0] =	ssyncadd.remote.s32 $0x1  }
0x36: {  	_ =	sfence.sel $0xFFFF  }
0x37: {  	[dreg:$0x0] =	wrdreg $0xFFFFFFFF;
	(pc) =	sbr.abs _section_cstart, $3  }
0x38: {  	[dreg:$0x1] =	wrdreg $0xFFFFFFFF  }
0x39: {  	_ =	task.clear_ibuf [dreg:s7], $0x2FFFF;
	_ =	strace $0x9FFFFFFF  }
0x3a: {  	(tm) =	ssettm $0x7FFFFFFF  }
0x3b: {  	_ =	shalt  }
tec
execute0_lowered:
.L_overlay_start_1:
0x0: {  	(tag) =	ssettag $0x1  }
0x1: {  	s1 =	rddreg [dreg:$0x0];
	s0 =	srdreg.scid  }
0x2: {  	s3 =	rddreg [dreg:$0x1];
	s4 =	simm.s32 $0x1;
	s7 =	simm.s32 $0x2  }
0x3: {  	s13 =	simm.s32 $0x0;
	s15 =	simm.s32 $0x0;
	s14 =	simm.s32 $0x0  }
0x4: {  	s9 =	simm.s32 $0x0;
	s11 =	stileid.u32;
	s2 =	sshll.u32 s0, $0x3  }
0x5: {  	s12 =	simm.s32 $0x0;
	s0 =	rddreg [dreg:$0x2];
	s2 =	sand.u32 $0x8, s2  }
.Ltmp0:
0x6: {  	_ =	strace $0x80000047;
	s6 =	ssub.s32 $0x80, s2;
	(pc) =	sbr.rel .LBB1_1-.Ltmp0, $4  }
0x7: {  	s5 =	sadd.s32 $0x2800, s3;
	s3 =	stileid.u32;
	s30 =	sshrl.u32 s6, $0x3  }
0x8: {  	[sflag:s4] =	ssyncpa.u1 $0x0;
	s6 =	sshrl.u32 s6, $0x4;
	s8 =	sand.u32 $0x1, s30  }
0x9: {  	[sflag:s7] =	ssyncpa.u1 $0x0;
	s10 =	smov.u32 s2;
	s31 =	sadd.s32 s6, s8  }
0xa: {  	s8 =	simm.s32 $0x0;
	s6 =	sshll.u32 s31, $0x1;
	s7 =	sshllo.u32 s31, $0x1  }
.LBB1_7:
0xb: {  	s16 =	sadd.s32 $0x800, s9  }
0xc: {  	s13 =	sadd.s32 $0x10, s10;
	s17 =	smov.u32 s10;
	p1 =	sgt.s32 s16, $0xFFF  }
0xd: {  	s17 =	smov.u32 @p1 s13  }
0xe: {  	s19 =	smov.u32 s11;
	s13 =	sadd.s32 $0x10, s11;
	p2 =	sgt.s32 s17, $0x7F  }
0xf: {  	s19 =	smov.u32 @p2 s13  }
0x10: {  	s16 =	simm.s32 @p1 $0x0;
	p1 =	sgt.s32 s19, $0xF  }
0x11: {  	p0 =	slt.u32 s12, $0x2;
	s19 =	smov.u32 @p1 s3;
	p1 =	sne.s32 s12, s7  }
.Ltmp1:
0x12: {  	s18 =	simm.s32 @!p0 $0x2;
	(pc) =	sbr.rel @!p1 .LBB1_8-.Ltmp1, $4  }
0x13: {  	s15 =	smov.u32 s10;
	s14 =	smov.u32 s11;
	_ =	swait.ge @!p0 [sflag:s18], $0x4000  }
0x14: {  	s8 =	sadd.s32 $0x4000, s8;
	[sflag:s18] =	ssyncset.done @!p0 $0x0;
	s17 =	smov.u32 @p2 s2  }
0x15: {  	s13 =	smov.u32 s9;
	[sflag:s18] =	ssyncadd.s32 @!p0 $0xFFFFC000;
	s9 =	smov.u32 s16  }
0x16: {  	s10 =	smov.u32 s17;
	s12 =	sadd.s32 $0x1, s12;
	s11 =	smov.u32 s19  }
.LBB1_1:
0x17: {  	p0 =	sge.u32 s12, s6  }
0x18: {  	s31 =	sadd.s32 $0xFFFFFFFF, s12;
	s16 =	sxor.u32 @!p0 $0xFFFFFFFF, s12;
	s17 =	sshll.u32 @!p0 s11, $0x10  }
0x19: {  	s18 =	sshll.u32 @!p0 s10, $0x9;
	s19 =	sshrl.u32 @!p0 s9, $0x3;
	s17 =	sadd.s32 @!p0 s1, s17  }
0x1a: {  	s16 =	sshll.u32 @!p0 s16, $0xE;
	s17 =	sadd.s32 @!p0 s18, s17;
	s18 =	sand.u32 @!p0 $0x7, s9  }
0x1b: {  	s19 =	sand.u32 @!p0 $0x1FF, s19;
	s16 =	sand.u32 @!p0 $0x4000, s16;
	s18 =	sshll.u32 @!p0 s18, $0x12  }
0x1c: {  	s17 =	sadd.s32 @!p0 s19, s17;
	s19 =	simm.s32 @!p0 $0x1000;
	s18 =	sor.u32 @!p0 $0x800, s18  }
0x1d: {  	[tilespmem:s16], [sflag:$0x1] =	stream.strided.gather @!p0 [hbm4b:s17+s18], $0x4000, s19, s18, $0x38;
	[tilespmem:$0x10000] =	vst v63  }
0x1e: {  	p0 =	sge.u32 s31, s6  }
.Ltmp2:
0x1f: {  	_ = 	snop;
	(pc) =	sbr.rel @p0 .LBB1_7-.Ltmp2, $1  }
0x20: {  	_ =	sdelay $0x3  }
0x21: {  	s16 =	sand.u32 $0x4000, s8  }
0x22: {  	_ =	swait.ge [sflag:s4], $0x4000;
	s19 =	sshll.u32 s12, $0xE;
	s17 =	sor.u32 $0x100, s16  }
0x23: {  	s18 =	sor.u32 $0x8800, s16;
	[sflag:s4] =	ssyncset.done $0x0;
	s31 =	sand.u32 $0x4000, s19  }
0x24: {  	s19 =	simm.s32 $0x0;
	[sflag:s4] =	ssyncadd.s32 $0xFFFFC000;
	s16 =	sor.u32 $0x8000, s31  }
.LBB1_3:
0x25: {  	v0 =	vld [tilespmem:s17+$0xF0]  }
0x26: {  	v1 =	vld [tilespmem:s17+$0xFFFFFF10]  }
0x27: {  	v2 =	vld [tilespmem:s17+$0xFFFFFF20]  }
0x28: {  	v3 =	vld [tilespmem:s17+$0xFFFFFF30]  }
0x29: {  	v4 =	vld [tilespmem:s17+$0xFFFFFF40]  }
0x2a: {  	v5 =	vld [tilespmem:s17+$0xFFFFFF50];
	[tilespmem:s18+$0x470] =	vst v0  }
0x2b: {  	[tilespmem:s18+$0xFFFFF810] =	vst v1;
	v0 =	vld [tilespmem:s17+$0xFFFFFF60]  }
0x2c: {  	[tilespmem:s18+$0xFFFFF820] =	vst v2;
	v1 =	vld [tilespmem:s17+$0xFFFFFF70]  }
0x2d: {  	[tilespmem:s18+$0xFFFFF830] =	vst v3;
	v2 =	vld [tilespmem:s17+$0xFFFFFF80]  }
0x2e: {  	[tilespmem:s18+$0xFFFFF840] =	vst v4;
	v3 =	vld [tilespmem:s17+$0xFFFFFF90]  }
0x2f: {  	[tilespmem:s18+$0xFFFFF850] =	vst v5;
	v4 =	vld [tilespmem:s17+$0xFFFFFFA0]  }
0x30: {  	v5 =	vld [tilespmem:s17+$0xA0];
	[tilespmem:s18+$0xFFFFF860] =	vst v0  }
0x31: {  	v0 =	vld [tilespmem:s17+$0xFFFFFFB0];
	[tilespmem:s18+$0xFFFFF870] =	vst v1  }
0x32: {  	v1 =	vld [tilespmem:s17+$0xFFFFFFC0];
	[tilespmem:s18+$0xFFFFFC00] =	vst v2  }
0x33: {  	[tilespmem:s18+$0xFFFFFC10] =	vst v3;
	v3 =	vld [tilespmem:s17+$0xFFFFFFE0]  }
0x34: {  	[tilespmem:s18+$0xFFFFFC20] =	vst v4;
	v4 =	vld [tilespmem:s17+$0xFFFFFFF0]  }
0x35: {  	v2 =	vld [tilespmem:s17+$0xFFFFFFD0];
	[tilespmem:s18+$0x420] =	vst v5  }
0x36: {  	[tilespmem:s18+$0xFFFFFC30] =	vst v0;
	v0 =	vld [tilespmem:s17+$0x0]  }
0x37: {  	[tilespmem:s18+$0xFFFFFC40] =	vst v1;
	v1 =	vld [tilespmem:s17+$0x10]  }
0x38: {  	[tilespmem:s18+$0xFFFFFC60] =	vst v3;
	v3 =	vld [tilespmem:s17+$0x30]  }
0x39: {  	[tilespmem:s18+$0xFFFFFC70] =	vst v4;
	v4 =	vld [tilespmem:s17+$0x40]  }
0x3a: {  	[tilespmem:s18+$0xFFFFFC50] =	vst v2;
	v2 =	vld [tilespmem:s17+$0x20]  }
0x3b: {  	[tilespmem:s18+$0x0] =	vst v0;
	v0 =	vld [tilespmem:s17+$0x50]  }
0x3c: {  	[tilespmem:s18+$0x10] =	vst v1;
	v1 =	vld [tilespmem:s17+$0x60]  }
0x3d: {  	[tilespmem:s18+$0x30] =	vst v3;
	v3 =	vld [tilespmem:s17+$0x80]  }
0x3e: {  	[tilespmem:s18+$0x40] =	vst v4;
	v4 =	vld [tilespmem:s17+$0x90]  }
0x3f: {  	[tilespmem:s18+$0x20] =	vst v2;
	v2 =	vld [tilespmem:s17+$0x70]  }
0x40: {  	[tilespmem:s18+$0x50] =	vst v0;
	v0 =	vld [tilespmem:s17+$0xB0]  }
0x41: {  	[tilespmem:s18+$0x60] =	vst v1;
	v1 =	vld [tilespmem:s17+$0xC0]  }
0x42: {  	[tilespmem:s18+$0x400] =	vst v3;
	v3 =	vld [tilespmem:s17+$0xD0]  }
0x43: {  	[tilespmem:s18+$0x410] =	vst v4;
	v4 =	vld [tilespmem:s17+$0xE0]  }
0x44: {  	s21 =	simm.s32 $0x0;
	s22 =	sadd.s32 $0x200, s17;
	s20 =	smov.u32 s18;
	[tilespmem:s18+$0x70] =	vst v2;
	v2 =	vld [tilespmem:s17+$0xFFFFFF00]  }
.LBB1_4:
0x45: {  	v5 =	vld [tilespmem:s22+$0xF0];
	s21 =	sadd.s32 $0x200, s21;
	[tilespmem:s20+$0x430] =	vst v0  }
0x46: {  	v0 =	vld [tilespmem:s22+$0xFFFFFF10];
	p0 =	slt.u32 s21, $0x600;
	[tilespmem:s20+$0x440] =	vst v1  }
0x47: {  	v1 =	vld [tilespmem:s22+$0xFFFFFF20];
	[tilespmem:s20+$0x450] =	vst v3  }
0x48: {  	v3 =	vld [tilespmem:s22+$0xFFFFFF30];
	[tilespmem:s20+$0x460] =	vst v4  }
0x49: {  	v4 =	vld [tilespmem:s22+$0xFFFFFF40];
	[tilespmem:s20+$0xFFFFF800] =	vst v2;
	s20 =	sadd.s32 $0x1000, s20  }
0x4a: {  	v2 =	vld [tilespmem:s22+$0xFFFFFF50];
	[tilespmem:s20+$0x470] =	vst v5  }
0x4b: {  	[tilespmem:s20+$0xFFFFF810] =	vst v0;
	v0 =	vld [tilespmem:s22+$0xFFFFFF60]  }
0x4c: {  	[tilespmem:s20+$0xFFFFF820] =	vst v1;
	v1 =	vld [tilespmem:s22+$0xFFFFFF70]  }
0x4d: {  	[tilespmem:s20+$0xFFFFF830] =	vst v3;
	v3 =	vld [tilespmem:s22+$0xFFFFFF80]  }
0x4e: {  	[tilespmem:s20+$0xFFFFF840] =	vst v4;
	v4 =	vld [tilespmem:s22+$0xFFFFFF90]  }
0x4f: {  	[tilespmem:s20+$0xFFFFF850] =	vst v2;
	v2 =	vld [tilespmem:s22+$0xFFFFFFA0]  }
0x50: {  	[tilespmem:s20+$0xFFFFF860] =	vst v0;
	v0 =	vld [tilespmem:s22+$0xFFFFFFB0]  }
0x51: {  	[tilespmem:s20+$0xFFFFF870] =	vst v1;
	v1 =	vld [tilespmem:s22+$0xFFFFFFC0]  }
0x52: {  	[tilespmem:s20+$0xFFFFFC00] =	vst v3;
	v3 =	vld [tilespmem:s22+$0xFFFFFFD0]  }
0x53: {  	[tilespmem:s20+$0xFFFFFC10] =	vst v4;
	v4 =	vld [tilespmem:s22+$0xFFFFFFE0]  }
0x54: {  	[tilespmem:s20+$0xFFFFFC20] =	vst v2;
	v2 =	vld [tilespmem:s22+$0xFFFFFFF0]  }
0x55: {  	[tilespmem:s20+$0xFFFFFC30] =	vst v0;
	v0 =	vld [tilespmem:s22+$0x0]  }
0x56: {  	[tilespmem:s20+$0xFFFFFC40] =	vst v1;
	v1 =	vld [tilespmem:s22+$0x10]  }
0x57: {  	[tilespmem:s20+$0xFFFFFC50] =	vst v3;
	v3 =	vld [tilespmem:s22+$0x20]  }
0x58: {  	[tilespmem:s20+$0xFFFFFC60] =	vst v4;
	v4 =	vld [tilespmem:s22+$0x30]  }
0x59: {  	[tilespmem:s20+$0xFFFFFC70] =	vst v2;
	v2 =	vld [tilespmem:s22+$0x40]  }
0x5a: {  	[tilespmem:s20+$0x0] =	vst v0;
	v0 =	vld [tilespmem:s22+$0x50]  }
0x5b: {  	[tilespmem:s20+$0x10] =	vst v1;
	v1 =	vld [tilespmem:s22+$0x60]  }
0x5c: {  	[tilespmem:s20+$0x20] =	vst v3;
	v3 =	vld [tilespmem:s22+$0x70]  }
0x5d: {  	[tilespmem:s20+$0x30] =	vst v4;
	v4 =	vld [tilespmem:s22+$0x80]  }
0x5e: {  	[tilespmem:s20+$0x40] =	vst v2;
	v2 =	vld [tilespmem:s22+$0x90]  }
0x5f: {  	[tilespmem:s20+$0x50] =	vst v0;
	v5 =	vld [tilespmem:s22+$0xA0]  }
.Ltmp3:
0x60: {  	[tilespmem:s20+$0x60] =	vst v1;
	v0 =	vld [tilespmem:s22+$0xB0];
	(pc) =	sbr.rel @p0 .LBB1_4-.Ltmp3, $4  }
0x61: {  	[tilespmem:s20+$0x70] =	vst v3;
	v1 =	vld [tilespmem:s22+$0xC0]  }
0x62: {  	[tilespmem:s20+$0x400] =	vst v4;
	v3 =	vld [tilespmem:s22+$0xD0]  }
0x63: {  	[tilespmem:s20+$0x410] =	vst v2;
	v4 =	vld [tilespmem:s22+$0xE0]  }
0x64: {  	v2 =	vld [tilespmem:s22+$0xFFFFFF00];
	[tilespmem:s20+$0x420] =	vst v5;
	s22 =	sadd.s32 $0x200, s22  }
0x65: {  	s19 =	sadd.s32 $0x1, s19  }
0x66: {  	p0 =	sne.s32 s19, $0x8  }
.Ltmp4:
0x67: {  	[tilespmem:s20+$0x430] =	vst v0;
	(pc) =	sbr.rel @p0 .LBB1_3-.Ltmp4, $4  }
0x68: {  	[tilespmem:s20+$0x440] =	vst v1  }
0x69: {  	[tilespmem:s20+$0x450] =	vst v3  }
0x6a: {  	[tilespmem:s20+$0x460] =	vst v4  }
0x6b: {  	s17 =	sadd.s32 $0x800, s17;
	s18 =	sadd.s32 $0x80, s18;
	[tilespmem:s20+$0xFFFFF800] =	vst v2  }
0x6c: {  	s17 =	sand.u32 $0x78, s13;
	s18 =	sshll.u32 s15, $0xC;
	s19 =	sshll.u32 s13, $0x3  }
0x6d: {  	s29 =	sshll.u32 s15, $0x7;
	s14 =	sshll.u32 s14, $0x10;
	s18 =	sand.u32 $0x78000, s18  }
0x6e: {  	s15 =	sand.u32 $0x380, s29;
	s18 =	sadd.s32 s18, s19;
	s19 =	sand.u32 $0xC00, s19  }
.Ltmp5:
0x6f: {  	s15 =	sor.u32 s15, s17;
	s30 =	sshrl.u32 s18, $0x3;
	(pc) =	sbr.rel .LBB1_7-.Ltmp5, $4  }
0x70: {  	s14 =	sadd.s32 s5, s14;
	s15 =	sor.u32 s19, s15;
	s17 =	sand.u32 $0xFE00, s30  }
0x71: {  	s15 =	sshrl.u32 s15, $0x3;
	s14 =	sadd.s32 s17, s14  }
0x72: {  	s31 =	sand.u32 $0x7, s13;
	s14 =	sadd.s32 s15, s14  }
0x73: {  	[hbm4b:s14+s31] =	stream.linear.scatter [tilespmem:s16], [sflag:$0x2], $0x4000, $0x38;
	[tilespmem:$0x10000] =	vst v63  }
.LBB1_8:
0x74: {  	_ =	sfence.sel $0x180000  }
0x75: {  	s1 =	simm.s32 $0x1;
	[bflag:$0x0] =	sbarrier.arrive $0xFFFF  }
0x76: {  	s31 =	simm.s32 $0x2;
	[sflag:s1] =	ssyncpa.u1 $0x1  }
0x77: {  	[sflag:s31] =	ssyncpa.u1 $0x1  }
0x78: {  	p0 =	sne.s32 s3, $0x0;
	_ =	strace $0x90000047  }
0x79: {  	s0 =	sadd.s32 @!p0 $0x100000, s0;
	[bflag:$0x2] =	sbarrier.arrive $0xFFFF  }
0x7a: {  	[sflag:s0] =	ssyncadd.tile.s32 @!p0 $0x1;
	_ =	shalt  }
.Lfunc_end1:
_tile_overlayer_lowered:
.L_overlay_start_2:
0x7b: {  	(tag) =	ssettag $0x2  }
0x7c: {  	s0 =	rddreg [dreg:$0x0];
	s2 =	stileid.u32  }
0x7d: {  	s1 =	rddreg [dreg:$0x1];
	p0 =	sne.s32 s2, $0x0  }
0x7e: {  	s3 =	rddreg [dreg:$0x2];
	[bflag:$0x3] =	sbarrier.arrive $0xFFFF;
	s2 =	simm.s32 @!p0 $0x1C01  }
0x7f: {  	[timem:s3], [sflag:s2] =	dma.local @!p0 [hbm:s0], s1  }
0x80: {  	s0 =	simm.s32 @!p0 $0x1  }
0x81: {  	_ =	swait.ge @!p0 [sflag:s0], s1  }
0x82: {  	s1 =	ssub.s32 @!p0 $0x0, s1;
	[sflag:s0] =	ssyncset.done @!p0 $0x0  }
0x83: {  	[sflag:s0] =	ssyncadd.s32 @!p0 s1  }
0x84: {  	[bflag:$0x3] =	sbarrier.arrive $0xFFFF  }
0x85: {  	_ =	shalt  }

</sc_bundles>
